<compile_context>
chip_gen: v7x
topology: tpu7x:2x2x1
jax: 0.10.2.dev20260603
libtpu: 0.0.44.dev20260713+nightly
codegen_flags: <defaults>
</compile_context>

<pallas_src>
import jax
from jax import lax
import jax.numpy as jnp
from jax.experimental import pallas as pl
from jax.experimental.pallas import tpu as pltpu
from jax.experimental.pallas import tpu_sc as plsc

_N_NODES = 100000
_DIM = 128
_NUM_SPECIES = 128
_WINDOW = 384
_PADDED = 100224


def _sc_gather(embeddings, idx2d):
    mesh = plsc.VectorSubcoreMesh(
        core_axis_name="core", subcore_axis_name="subcore"
    )

    @pl.kernel(
        out_type=jax.ShapeDtypeStruct((_N_NODES, _DIM), embeddings.dtype),
        mesh=mesh,
        scratch_types=[
            pltpu.VMEM_SHARED((_NUM_SPECIES, _DIM), jnp.float32),
            pltpu.SemaphoreType.DMA,
        ],
    )
    def gather_kernel(x_hbm, i_hbm, o_hbm, tbl_vmem, sem):
        @pl.when(lax.axis_index("subcore") == 0)
        def _():
            pltpu.async_copy(x_hbm, tbl_vmem, sem).wait()

        plsc.subcore_barrier()

        def body(i_vmem, o_vmem):
            pltpu.sync_copy(tbl_vmem.at[i_vmem.at[0]], o_vmem)

        pltpu.emit_pipeline(
            body,
            grid=(_PADDED // _WINDOW,),
            in_specs=[pl.BlockSpec((1, _WINDOW), index_map=lambda i: (0, i))],
            out_specs=[
                pl.BlockSpec((_WINDOW, _DIM), index_map=lambda i: (i, 0))
            ],
            core_axis_name=("core", "subcore"),
            dimension_semantics=(pltpu.PARALLEL,),
        )(i_hbm, o_hbm)

    return gather_kernel(embeddings, idx2d)


def kernel(node_specie, embeddings):
    idx = jnp.pad(node_specie, (0, _PADDED - _N_NODES))
    return _sc_gather(embeddings, idx.reshape(1, _PADDED))

# --- scband reference (transcript-rebuilt; emitter-appended) ---
"""Pipeline reference for scband-linear-node-embedding-block-20864951124190 (READ-ONLY COPY).

The authoritative reference and input builder live on the scoring server;
editing this copy changes nothing except your own understanding.
"""

import jax, jax.numpy as jnp
import numpy as np

NUM_SPECIES = 128
IRREPS_DIM = 128  # '128x0e' -> 128 scalar (0e) channels
N_NODES = 100000


def setup_inputs(seed: int = 0) -> dict:
    key = jax.random.key(seed)
    k1, k2 = jax.random.split(key)
    node_specie = jax.random.randint(k1, (N_NODES,), 0, NUM_SPECIES, dtype=jnp.int64 if jax.config.jax_enable_x64 else jnp.int32)
    # learned parameter: embeddings table (num_species, irreps_out.dim), RandomNormal init (stddev=1)
    embeddings = jax.random.normal(k2, (NUM_SPECIES, IRREPS_DIM), dtype=jnp.float32)
    return {"node_specie": node_specie, "embeddings": embeddings}


def reference(node_specie, embeddings):
    # LinearNodeEmbeddingBlock.__call__: w[node_specie]
    # IrrepsArray with all-scalar ('0e') irreps is just the underlying array.
    return jnp.take(embeddings, node_specie, axis=0)

if __name__ == "__main__":
    import jax
    _d = setup_inputs()
    print(jax.jit(kernel)(*tuple(_d.values())))

</pallas_src>

<mosaic_0001>
#map = affine_map<(d0, d1) -> (0, 0)>
module attributes {stable_mosaic.version = 14 : i64} {
  func.func @gather_kernel(%arg0: i32, %arg1: i32, %arg2: memref<128x128xf32, #tpu.memory_space<hbm>>, %arg3: memref<1x100224xi32, #tpu.memory_space<hbm>>, %arg4: memref<100000x128xf32, #tpu.memory_space<hbm>>, %arg5: memref<128x128xf32, #tpu.memory_space<vmem_shared>>, %arg6: memref<!tpu.dma_semaphore, #tpu.memory_space<semaphore_mem>>) attributes {dimension_semantics = [#tpu.dimension_semantics<core_parallel>, #tpu.dimension_semantics<subcore_parallel>], iteration_bounds = array<i64: 2, 16>, scalar_prefetch = 0 : i64, scratch_operands = 2 : i64, tpu.core_type = #tpu.core_type<sc_vector_subcore>, window_params = [{transform_indices = #map}, {transform_indices = #map}, {transform_indices = #map}]} {
    %eq3A = arith.constant 0 : i32
    %eq3A_0 = arith.cmpi eq, %arg1, %eq3A : i32
    %convert_element_type3A = arith.extui %eq3A_0 : i1 to i32
    %cond3A = arith.constant 0 : i32
    %cond3A_1 = arith.cmpi ne, %convert_element_type3A, %cond3A : i32
    scf.if %cond3A_1 {
      tpu.enqueue_dma source(%arg2 : memref<128x128xf32, #tpu.memory_space<hbm>>) target(%arg5 : memref<128x128xf32, #tpu.memory_space<vmem_shared>>) target_semaphore(%arg6 : memref<!tpu.dma_semaphore, #tpu.memory_space<semaphore_mem>>)
      tpu.wait_dma2 semaphore(%arg6 : memref<!tpu.dma_semaphore, #tpu.memory_space<semaphore_mem>>) src(%arg2 : memref<128x128xf32, #tpu.memory_space<hbm>>) dst(%arg5 : memref<128x128xf32, #tpu.memory_space<vmem_shared>>)
    } else {
    }
    %barrier3A = arith.constant 0 : index
    tpu.barrier barrier_id(%barrier3A)
    %mul3A = arith.constant 1 : i32
    %mul3A_2 = arith.muli %arg1, %mul3A : i32
    %add3A = arith.constant 0 : i32
    %add3A_3 = arith.addi %add3A, %mul3A_2 : i32
    %mul3A_4 = arith.constant 16 : i32
    %mul3A_5 = arith.muli %arg0, %mul3A_4 : i32
    %add3A_6 = arith.addi %add3A_3, %mul3A_5 : i32
    %lt3A = arith.constant 5 : i32
    %lt3A_7 = arith.cmpi slt, %add3A_6, %lt3A : i32
    %jit3A = arith.constant 9 : i32
    %jit3A_8 = arith.constant 8 : i32
    %select_n3A = arith.select %lt3A_7, %jit3A, %jit3A_8 : i32
    %lt3A_9 = arith.constant 5 : i32
    %lt3A_10 = arith.cmpi slt, %add3A_6, %lt3A_9 : i32
    %mul3A_11 = arith.muli %add3A_6, %select_n3A : i32
    %mul3A_12 = arith.constant 8 : i32
    %mul3A_13 = arith.muli %add3A_6, %mul3A_12 : i32
    %add3A_14 = arith.constant 5 : i32
    %add3A_15 = arith.addi %mul3A_13, %add3A_14 : i32
    %select_n3A_16 = arith.select %lt3A_10, %mul3A_11, %add3A_15 : i32
    %mul3A_17 = arith.constant 1 : i32
    %mul3A_18 = arith.muli %mul3A_17, %select_n3A : i32
    "tpu.region"() ({
      %run_scoped3A = memref.alloca() : memref<2x1x384xi32, #tpu.memory_space<vmem>>
      %run_scoped3A_19 = tpu.sem_alloc : memref<2x!tpu.dma_semaphore, #tpu.memory_space<semaphore_mem>>
      %run_scoped3A_20 = memref.alloca() : memref<2x384x128xf32, #tpu.memory_space<vmem>>
      %run_scoped3A_21 = tpu.sem_alloc : memref<2x!tpu.dma_semaphore, #tpu.memory_space<semaphore_mem>>
      %gt3A = arith.constant 0 : i32
      %gt3A_22 = arith.cmpi sgt, %mul3A_18, %gt3A : i32
      %convert_element_type3A_23 = arith.extui %gt3A_22 : i1 to i32
      %cond3A_24 = arith.constant 0 : i32
      %cond3A_25 = arith.cmpi ne, %convert_element_type3A_23, %cond3A_24 : i32
      scf.if %cond3A_25 {
        %mul3A_26 = arith.constant 1 : i32
        %mul3A_27 = arith.muli %mul3A_26, %select_n3A : i32
        %sub3A = arith.constant 1 : i32
        %sub3A_28 = arith.subi %mul3A_27, %sub3A : i32
        %eq3A_29 = arith.constant 0 : i32
        %eq3A_30 = arith.cmpi eq, %sub3A_28, %eq3A_29 : i32
        %add3A_31 = arith.constant 0 : i32
        %add3A_32 = arith.addi %add3A_31, %select_n3A_16 : i32
        %select_n3A_33 = arith.constant true
        %select_n3A_34 = arith.constant 0 : i32
        %select_n3A_35 = arith.constant -1 : i32
        %select_n3A_36 = arith.select %select_n3A_33, %select_n3A_35, %select_n3A_34 : i32
        %eq3A_37 = arith.constant -1 : i32
        %eq3A_38 = arith.cmpi eq, %select_n3A_36, %eq3A_37 : i32
        %sub3A_39 = arith.constant 1 : i32
        %sub3A_40 = arith.subi %select_n3A, %sub3A_39 : i32
        %select_n3A_41 = arith.select %eq3A_38, %sub3A_40, %select_n3A_36 : i32
        %add3A_42 = arith.addi %select_n3A_41, %select_n3A_16 : i32
        %select_n3A_43 = arith.constant true
        %select_n3A_44 = arith.constant 0 : i32
        %select_n3A_45 = arith.constant 1 : i32
        %select_n3A_46 = arith.select %select_n3A_43, %select_n3A_45, %select_n3A_44 : i32
        %eq3A_47 = arith.cmpi eq, %select_n3A_46, %select_n3A : i32
        %select_n3A_48 = arith.constant 0 : i32
        %select_n3A_49 = arith.select %eq3A_47, %select_n3A_48, %select_n3A_46 : i32
        %add3A_50 = arith.addi %select_n3A_49, %select_n3A_16 : i32
        %add3A_51 = arith.constant 1 : i32
        %add3A_52 = arith.addi %select_n3A_49, %add3A_51 : i32
        %select_n3A_53 = arith.constant true
        %select_n3A_54 = arith.select %select_n3A_53, %add3A_52, %select_n3A_49 : i32
        %eq3A_55 = arith.cmpi eq, %select_n3A_54, %select_n3A : i32
        %select_n3A_56 = arith.constant 0 : i32
        %select_n3A_57 = arith.select %eq3A_55, %select_n3A_56, %select_n3A_54 : i32
        %add3A_58 = arith.addi %select_n3A_57, %select_n3A_16 : i32
        "tpu.trace_start"() <{level = 10 : i32, message = "ep_initialize_0"}> : () -> ()
        %rem3A = arith.constant 0 : i32
        %rem3A_59 = arith.constant 2 : i32
        %rem3A_60 = arith.remui %rem3A, %rem3A_59 : i32
        %mul3A_61 = arith.constant 384 : i32
        %mul3A_62 = arith.muli %mul3A_61, %add3A_32 : i32
        %dma_start3A = arith.constant 0 : i32
        %dma_start3A_63 = arith.constant 0 : i32
        %dma_start3A_64 = tpu.memref_slice %run_scoped3A[%rem3A_60, %dma_start3A, %dma_start3A_63] : memref<2x1x384xi32, #tpu.memory_space<vmem>> -> memref<1x1x384xi32, #tpu.memory_space<vmem>>
        %dma_start3A_65 = tpu.memref_squeeze %dma_start3A_64 : memref<1x1x384xi32, #tpu.memory_space<vmem>> -> memref<1x384xi32, #tpu.memory_space<vmem>>
        %dma_start3A_66 = arith.constant 0 : i32
        %dma_start3A_67 = tpu.memref_slice %arg3[%dma_start3A_66, %mul3A_62] : memref<1x100224xi32, #tpu.memory_space<hbm>> -> memref<1x384xi32, #tpu.memory_space<hbm>>
        %dma_start3A_68 = tpu.memref_slice %run_scoped3A_19[%rem3A_60] : memref<2x!tpu.dma_semaphore, #tpu.memory_space<semaphore_mem>> -> memref<1x!tpu.dma_semaphore, #tpu.memory_space<semaphore_mem>>
        %dma_start3A_69 = tpu.memref_squeeze %dma_start3A_68 : memref<1x!tpu.dma_semaphore, #tpu.memory_space<semaphore_mem>> -> memref<!tpu.dma_semaphore, #tpu.memory_space<semaphore_mem>>
        %dma_start3A_70 = arith.constant 0 : i32
        %dma_start3A_71 = arith.constant 0 : i32
        %dma_start3A_72 = tpu.memref_slice %run_scoped3A[%rem3A_60, %dma_start3A_70, %dma_start3A_71] : memref<2x1x384xi32, #tpu.memory_space<vmem>> -> memref<1x1x384xi32, #tpu.memory_space<vmem>>
        %dma_start3A_73 = tpu.memref_squeeze %dma_start3A_72 : memref<1x1x384xi32, #tpu.memory_space<vmem>> -> memref<1x384xi32, #tpu.memory_space<vmem>>
        %dma_start3A_74 = arith.constant 0 : i32
        %dma_start3A_75 = tpu.memref_slice %arg3[%dma_start3A_74, %mul3A_62] : memref<1x100224xi32, #tpu.memory_space<hbm>> -> memref<1x384xi32, #tpu.memory_space<hbm>>
        tpu.enqueue_dma source(%dma_start3A_75 : memref<1x384xi32, #tpu.memory_space<hbm>>) target(%dma_start3A_73 : memref<1x384xi32, #tpu.memory_space<vmem>>) target_semaphore(%dma_start3A_69 : memref<!tpu.dma_semaphore, #tpu.memory_space<semaphore_mem>>)
        %add3A_76 = arith.constant 0 : i32
        %add3A_77 = arith.constant 1 : i32
        %add3A_78 = arith.addi %add3A_76, %add3A_77 : i32
        %select_n3A_79 = arith.constant true
        %select_n3A_80 = arith.constant 0 : i32
        %select_n3A_81 = arith.select %select_n3A_79, %add3A_78, %select_n3A_80 : i32
        %while3A = arith.constant 0 : i32
        %while3A_82 = arith.constant 0 : i32
        %while3A_83 = arith.constant 0 : i32
        %while3A_84 = arith.constant 0 : i32
        %while3A_85 = arith.constant 0 : i32
        "tpu.trace_stop"() : () -> ()
        %while3A_86 = arith.subi %mul3A_18, %while3A : i32
        %while3A_87 = arith.addi %while3A, %while3A_86 : i32
        %while3A_88 = arith.constant 1 : i32
        %while3A_89 = arith.divsi %while3A_86, %while3A_88 : i32
        %while3A_90 = arith.muli %while3A_89, %while3A_88 : i32
        %while3A_91 = arith.addi %while3A, %while3A_90 : i32
        %while3A_92 = arith.constant 1 : i32
        %while3A_93:5 = scf.for %while3A_147 = %while3A to %while3A_91 step %while3A_92 iter_args(%while3A_148 = %select_n3A_81, %while3A_149 = %while3A_82, %while3A_150 = %while3A_83, %while3A_151 = %while3A_84, %while3A_152 = %while3A_85) -> (i32, i32, i32, i32, i32)  : i32 {
          %mul3A_153 = arith.constant 1 : i32
          %mul3A_154 = arith.muli %mul3A_153, %select_n3A : i32
          %eq3A_155 = arith.constant 0 : i32
          %eq3A_156 = arith.cmpi eq, %while3A_147, %eq3A_155 : i32
          %sub3A_157 = arith.constant 1 : i32
          %sub3A_158 = arith.subi %mul3A_154, %sub3A_157 : i32
          %eq3A_159 = arith.cmpi eq, %while3A_147, %sub3A_158 : i32
          %add3A_160 = arith.addi %while3A_152, %select_n3A_16 : i32
          %sub3A_161 = arith.constant 1 : i32
          %sub3A_162 = arith.subi %while3A_152, %sub3A_161 : i32
          %select_n3A_163 = arith.constant true
          %select_n3A_164 = arith.select %select_n3A_163, %sub3A_162, %while3A_152 : i32
          %eq3A_165 = arith.constant -1 : i32
          %eq3A_166 = arith.cmpi eq, %select_n3A_164, %eq3A_165 : i32
          %sub3A_167 = arith.constant 1 : i32
          %sub3A_168 = arith.subi %select_n3A, %sub3A_167 : i32
          %select_n3A_169 = arith.select %eq3A_166, %sub3A_168, %select_n3A_164 : i32
          %add3A_170 = arith.addi %select_n3A_169, %select_n3A_16 : i32
          %add3A_171 = arith.constant 1 : i32
          %add3A_172 = arith.addi %while3A_152, %add3A_171 : i32
          %select_n3A_173 = arith.constant true
          %select_n3A_174 = arith.select %select_n3A_173, %add3A_172, %while3A_152 : i32
          %eq3A_175 = arith.cmpi eq, %select_n3A_174, %select_n3A : i32
          %select_n3A_176 = arith.constant 0 : i32
          %select_n3A_177 = arith.select %eq3A_175, %select_n3A_176, %select_n3A_174 : i32
          %add3A_178 = arith.addi %select_n3A_177, %select_n3A_16 : i32
          %add3A_179 = arith.constant 1 : i32
          %add3A_180 = arith.addi %select_n3A_177, %add3A_179 : i32
          %select_n3A_181 = arith.constant true
          %select_n3A_182 = arith.select %select_n3A_181, %add3A_180, %select_n3A_177 : i32
          %eq3A_183 = arith.cmpi eq, %select_n3A_182, %select_n3A : i32
          %select_n3A_184 = arith.constant 0 : i32
          %select_n3A_185 = arith.select %eq3A_183, %select_n3A_184, %select_n3A_182 : i32
          %add3A_186 = arith.addi %select_n3A_185, %select_n3A_16 : i32
          %ne3A = arith.cmpi ne, %add3A_160, %add3A_178 : i32
          %or3A = arith.constant false
          %or3A_187 = arith.ori %or3A, %ne3A : i1
          %sub3A_188 = arith.constant 2 : i32
          %sub3A_189 = arith.subi %mul3A_154, %sub3A_188 : i32
          %add3A_190 = arith.constant 1 : i32
          %add3A_191 = arith.addi %sub3A_189, %add3A_190 : i32
          %ge3A = arith.cmpi sge, %while3A_147, %add3A_191 : i32
          %not3A = arith.constant true
          %not3A_192 = arith.xori %ge3A, %not3A : i1
          %and3A = arith.andi %or3A_187, %not3A_192 : i1
          %convert_element_type3A_193 = arith.extui %and3A : i1 to i32
          %cond3A_194 = arith.constant 0 : i32
          %cond3A_195 = arith.cmpi ne, %convert_element_type3A_193, %cond3A_194 : i32
          scf.if %cond3A_195 {
            "tpu.trace_start"() <{level = 10 : i32, message = "ep_copy_in"}> : () -> ()
            %rem3A_299 = arith.constant 2 : i32
            %rem3A_300 = arith.remui %while3A_148, %rem3A_299 : i32
            %mul3A_301 = arith.constant 384 : i32
            %mul3A_302 = arith.muli %mul3A_301, %add3A_178 : i32
            %dma_start3A_303 = arith.constant 0 : i32
            %dma_start3A_304 = arith.constant 0 : i32
            %dma_start3A_305 = tpu.memref_slice %run_scoped3A[%rem3A_300, %dma_start3A_303, %dma_start3A_304] : memref<2x1x384xi32, #tpu.memory_space<vmem>> -> memref<1x1x384xi32, #tpu.memory_space<vmem>>
            %dma_start3A_306 = tpu.memref_squeeze %dma_start3A_305 : memref<1x1x384xi32, #tpu.memory_space<vmem>> -> memref<1x384xi32, #tpu.memory_space<vmem>>
            %dma_start3A_307 = arith.constant 0 : i32
            %dma_start3A_308 = tpu.memref_slice %arg3[%dma_start3A_307, %mul3A_302] : memref<1x100224xi32, #tpu.memory_space<hbm>> -> memref<1x384xi32, #tpu.memory_space<hbm>>
            %dma_start3A_309 = tpu.memref_slice %run_scoped3A_19[%rem3A_300] : memref<2x!tpu.dma_semaphore, #tpu.memory_space<semaphore_mem>> -> memref<1x!tpu.dma_semaphore, #tpu.memory_space<semaphore_mem>>
            %dma_start3A_310 = tpu.memref_squeeze %dma_start3A_309 : memref<1x!tpu.dma_semaphore, #tpu.memory_space<semaphore_mem>> -> memref<!tpu.dma_semaphore, #tpu.memory_space<semaphore_mem>>
            %dma_start3A_311 = arith.constant 0 : i32
            %dma_start3A_312 = arith.constant 0 : i32
            %dma_start3A_313 = tpu.memref_slice %run_scoped3A[%rem3A_300, %dma_start3A_311, %dma_start3A_312] : memref<2x1x384xi32, #tpu.memory_space<vmem>> -> memref<1x1x384xi32, #tpu.memory_space<vmem>>
            %dma_start3A_314 = tpu.memref_squeeze %dma_start3A_313 : memref<1x1x384xi32, #tpu.memory_space<vmem>> -> memref<1x384xi32, #tpu.memory_space<vmem>>
            %dma_start3A_315 = arith.constant 0 : i32
            %dma_start3A_316 = tpu.memref_slice %arg3[%dma_start3A_315, %mul3A_302] : memref<1x100224xi32, #tpu.memory_space<hbm>> -> memref<1x384xi32, #tpu.memory_space<hbm>>
            tpu.enqueue_dma source(%dma_start3A_316 : memref<1x384xi32, #tpu.memory_space<hbm>>) target(%dma_start3A_314 : memref<1x384xi32, #tpu.memory_space<vmem>>) target_semaphore(%dma_start3A_310 : memref<!tpu.dma_semaphore, #tpu.memory_space<semaphore_mem>>)
            "tpu.trace_stop"() : () -> ()
          } else {
          }
          %and3A_196 = arith.constant true
          %and3A_197 = arith.andi %and3A, %and3A_196 : i1
          %add3A_198 = arith.constant 1 : i32
          %add3A_199 = arith.addi %while3A_148, %add3A_198 : i32
          %select_n3A_200 = arith.select %and3A_197, %add3A_199, %while3A_148 : i32
          %ne3A_201 = arith.cmpi ne, %add3A_160, %add3A_178 : i32
          %or3A_202 = arith.constant false
          %or3A_203 = arith.ori %or3A_202, %ne3A_201 : i1
          %or3A_204 = arith.constant false
          %or3A_205 = arith.ori %or3A_203, %or3A_204 : i1
          %sub3A_206 = arith.constant 2 : i32
          %sub3A_207 = arith.subi %mul3A_154, %sub3A_206 : i32
          %add3A_208 = arith.constant 1 : i32
          %add3A_209 = arith.addi %sub3A_207, %add3A_208 : i32
          %ge3A_210 = arith.cmpi sge, %while3A_147, %add3A_209 : i32
          %not3A_211 = arith.constant true
          %not3A_212 = arith.xori %ge3A_210, %not3A_211 : i1
          %and3A_213 = arith.andi %or3A_205, %not3A_212 : i1
          %ne3A_214 = arith.cmpi ne, %add3A_160, %add3A_170 : i32
          %or3A_215 = arith.constant false
          %or3A_216 = arith.ori %or3A_215, %ne3A_214 : i1
          %or3A_217 = arith.ori %or3A_216, %eq3A_156 : i1
          %convert_element_type3A_218 = arith.extui %or3A_217 : i1 to i32
          %cond3A_219 = arith.constant 0 : i32
          %cond3A_220 = arith.cmpi ne, %convert_element_type3A_218, %cond3A_219 : i32
          scf.if %cond3A_220 {
            "tpu.trace_start"() <{level = 10 : i32, message = "ep_wait_in"}> : () -> ()
            %mul3A_299 = arith.constant 384 : i32
            %mul3A_300 = arith.muli %mul3A_299, %add3A_160 : i32
            %rem3A_301 = arith.constant 2 : i32
            %rem3A_302 = arith.remui %while3A_149, %rem3A_301 : i32
            %dma_wait3A = arith.constant 0 : i32
            %dma_wait3A_303 = arith.constant 0 : i32
            %dma_wait3A_304 = tpu.memref_slice %run_scoped3A[%rem3A_302, %dma_wait3A, %dma_wait3A_303] : memref<2x1x384xi32, #tpu.memory_space<vmem>> -> memref<1x1x384xi32, #tpu.memory_space<vmem>>
            %dma_wait3A_305 = tpu.memref_squeeze %dma_wait3A_304 : memref<1x1x384xi32, #tpu.memory_space<vmem>> -> memref<1x384xi32, #tpu.memory_space<vmem>>
            %dma_wait3A_306 = arith.constant 0 : i32
            %dma_wait3A_307 = tpu.memref_slice %arg3[%dma_wait3A_306, %mul3A_300] : memref<1x100224xi32, #tpu.memory_space<hbm>> -> memref<1x384xi32, #tpu.memory_space<hbm>>
            %dma_wait3A_308 = tpu.memref_slice %run_scoped3A_19[%rem3A_302] : memref<2x!tpu.dma_semaphore, #tpu.memory_space<semaphore_mem>> -> memref<1x!tpu.dma_semaphore, #tpu.memory_space<semaphore_mem>>
            %dma_wait3A_309 = tpu.memref_squeeze %dma_wait3A_308 : memref<1x!tpu.dma_semaphore, #tpu.memory_space<semaphore_mem>> -> memref<!tpu.dma_semaphore, #tpu.memory_space<semaphore_mem>>
            %dma_wait3A_310 = arith.constant 0 : i32
            %dma_wait3A_311 = arith.constant 0 : i32
            %dma_wait3A_312 = tpu.memref_slice %run_scoped3A[%rem3A_302, %dma_wait3A_310, %dma_wait3A_311] : memref<2x1x384xi32, #tpu.memory_space<vmem>> -> memref<1x1x384xi32, #tpu.memory_space<vmem>>
            %dma_wait3A_313 = tpu.memref_squeeze %dma_wait3A_312 : memref<1x1x384xi32, #tpu.memory_space<vmem>> -> memref<1x384xi32, #tpu.memory_space<vmem>>
            %dma_wait3A_314 = arith.constant 0 : i32
            %dma_wait3A_315 = tpu.memref_slice %arg3[%dma_wait3A_314, %mul3A_300] : memref<1x100224xi32, #tpu.memory_space<hbm>> -> memref<1x384xi32, #tpu.memory_space<hbm>>
            tpu.wait_dma2 semaphore(%dma_wait3A_309 : memref<!tpu.dma_semaphore, #tpu.memory_space<semaphore_mem>>) src(%dma_wait3A_315 : memref<1x384xi32, #tpu.memory_space<hbm>>) dst(%dma_wait3A_313 : memref<1x384xi32, #tpu.memory_space<vmem>>)
            "tpu.trace_stop"() : () -> ()
          } else {
          }
          %ne3A_221 = arith.cmpi ne, %add3A_160, %add3A_170 : i32
          %or3A_222 = arith.constant false
          %or3A_223 = arith.ori %or3A_222, %ne3A_221 : i1
          %or3A_224 = arith.constant false
          %or3A_225 = arith.ori %or3A_223, %or3A_224 : i1
          %or3A_226 = arith.ori %or3A_225, %eq3A_156 : i1
          %convert_element_type3A_227 = arith.extui %or3A_226 : i1 to i32
          %cond3A_228 = arith.constant 0 : i32
          %cond3A_229 = arith.cmpi ne, %convert_element_type3A_227, %cond3A_228 : i32
          scf.if %cond3A_229 {
          } else {
          }
          %rem3A_230 = arith.constant 2 : i32
          %rem3A_231 = arith.remui %while3A_149, %rem3A_230 : i32
          %rem3A_232 = arith.constant 2 : i32
          %rem3A_233 = arith.remui %while3A_150, %rem3A_232 : i32
          %run_scoped3A_234 = arith.constant 0 : i32
          "tpu.trace_start"() <{level = 10 : i32, message = "ep_run_kernel"}> : () -> ()
          "tpu.region"() ({
            %run_scoped3A_299 = tpu.sem_alloc : memref<!tpu.dma_semaphore, #tpu.memory_space<semaphore_mem>>
            %dma_start3A_300 = arith.constant 0 : i32
            %dma_start3A_301 = arith.constant 0 : i32
            %dma_start3A_302 = tpu.memref_slice %run_scoped3A_20[%rem3A_233, %dma_start3A_300, %dma_start3A_301] : memref<2x384x128xf32, #tpu.memory_space<vmem>> -> memref<1x384x128xf32, #tpu.memory_space<vmem>>
            %dma_start3A_303 = tpu.memref_squeeze %dma_start3A_302 : memref<1x384x128xf32, #tpu.memory_space<vmem>> -> memref<384x128xf32, #tpu.memory_space<vmem>>
            %dma_start3A_304 = arith.constant 0 : i32
            %dma_start3A_305 = arith.constant 0 : i32
            %dma_start3A_306 = tpu.memref_slice %run_scoped3A[%rem3A_231, %dma_start3A_304, %dma_start3A_305] : memref<2x1x384xi32, #tpu.memory_space<vmem>> -> memref<1x1x384xi32, #tpu.memory_space<vmem>>
            %dma_start3A_307 = tpu.memref_squeeze %dma_start3A_306 : memref<1x1x384xi32, #tpu.memory_space<vmem>> -> memref<1x384xi32, #tpu.memory_space<vmem>>
            %dma_start3A_308 = arith.constant 0 : i32
            %dma_start3A_309 = tpu.memref_slice %dma_start3A_307[%run_scoped3A_234, %dma_start3A_308] : memref<1x384xi32, #tpu.memory_space<vmem>> -> memref<1x384xi32, #tpu.memory_space<vmem>>
            %dma_start3A_310 = tpu.memref_squeeze %dma_start3A_309 : memref<1x384xi32, #tpu.memory_space<vmem>> -> memref<384xi32, #tpu.memory_space<vmem>>
            %dma_start3A_311 = arith.constant 0 : i32
            %dma_start3A_312 = arith.constant 0 : i32
            %dma_start3A_313 = tpu.memref_slice %arg5[%dma_start3A_311, %dma_start3A_312] : memref<128x128xf32, #tpu.memory_space<vmem_shared>> -> memref<128x128xf32, #tpu.memory_space<vmem_shared>>
            tpu.enqueue_indirect_dma source(%dma_start3A_313 : memref<128x128xf32, #tpu.memory_space<vmem_shared>>) target(%dma_start3A_303 : memref<384x128xf32, #tpu.memory_space<vmem>>) offsets(%dma_start3A_310 : memref<384xi32, #tpu.memory_space<vmem>>) semaphore(%run_scoped3A_299 : memref<!tpu.dma_semaphore, #tpu.memory_space<semaphore_mem>>)
            %dma_wait3A = arith.constant 0 : i32
            %dma_wait3A_314 = arith.constant 0 : i32
            %dma_wait3A_315 = tpu.memref_slice %run_scoped3A_20[%rem3A_233, %dma_wait3A, %dma_wait3A_314] : memref<2x384x128xf32, #tpu.memory_space<vmem>> -> memref<1x384x128xf32, #tpu.memory_space<vmem>>
            %dma_wait3A_316 = tpu.memref_squeeze %dma_wait3A_315 : memref<1x384x128xf32, #tpu.memory_space<vmem>> -> memref<384x128xf32, #tpu.memory_space<vmem>>
            %dma_wait3A_317 = arith.constant 0 : i32
            %dma_wait3A_318 = arith.constant 0 : i32
            %dma_wait3A_319 = tpu.memref_slice %run_scoped3A[%rem3A_231, %dma_wait3A_317, %dma_wait3A_318] : memref<2x1x384xi32, #tpu.memory_space<vmem>> -> memref<1x1x384xi32, #tpu.memory_space<vmem>>
            %dma_wait3A_320 = tpu.memref_squeeze %dma_wait3A_319 : memref<1x1x384xi32, #tpu.memory_space<vmem>> -> memref<1x384xi32, #tpu.memory_space<vmem>>
            %dma_wait3A_321 = arith.constant 0 : i32
            %dma_wait3A_322 = tpu.memref_slice %dma_wait3A_320[%run_scoped3A_234, %dma_wait3A_321] : memref<1x384xi32, #tpu.memory_space<vmem>> -> memref<1x384xi32, #tpu.memory_space<vmem>>
            %dma_wait3A_323 = tpu.memref_squeeze %dma_wait3A_322 : memref<1x384xi32, #tpu.memory_space<vmem>> -> memref<384xi32, #tpu.memory_space<vmem>>
            %dma_wait3A_324 = arith.constant 0 : i32
            %dma_wait3A_325 = arith.constant 0 : i32
            %dma_wait3A_326 = tpu.memref_slice %arg5[%dma_wait3A_324, %dma_wait3A_325] : memref<128x128xf32, #tpu.memory_space<vmem_shared>> -> memref<128x128xf32, #tpu.memory_space<vmem_shared>>
            tpu.wait_indirect_dma semaphore(%run_scoped3A_299 : memref<!tpu.dma_semaphore, #tpu.memory_space<semaphore_mem>>) src(%dma_wait3A_326 : memref<128x128xf32, #tpu.memory_space<vmem_shared>>) dst(%dma_wait3A_316 : memref<384x128xf32, #tpu.memory_space<vmem>>)
            tpu.yield
          }) : () -> ()
          "tpu.trace_stop"() : () -> ()
          %ne3A_235 = arith.cmpi ne, %add3A_160, %add3A_178 : i32
          %or3A_236 = arith.constant false
          %or3A_237 = arith.ori %or3A_236, %ne3A_235 : i1
          %or3A_238 = arith.ori %or3A_237, %eq3A_159 : i1
          %convert_element_type3A_239 = arith.extui %or3A_238 : i1 to i32
          %cond3A_240 = arith.constant 0 : i32
          %cond3A_241 = arith.cmpi ne, %convert_element_type3A_239, %cond3A_240 : i32
          scf.if %cond3A_241 {
          } else {
          }
          %and3A_242 = arith.constant false
          %and3A_243 = arith.andi %or3A_238, %and3A_242 : i1
          %ne3A_244 = arith.cmpi ne, %add3A_160, %add3A_178 : i32
          %or3A_245 = arith.constant false
          %or3A_246 = arith.ori %or3A_245, %ne3A_244 : i1
          %or3A_247 = arith.constant false
          %or3A_248 = arith.ori %or3A_246, %or3A_247 : i1
          %or3A_249 = arith.ori %or3A_248, %eq3A_159 : i1
          %convert_element_type3A_250 = arith.extui %or3A_249 : i1 to i32
          %cond3A_251 = arith.constant 0 : i32
          %cond3A_252 = arith.cmpi ne, %convert_element_type3A_250, %cond3A_251 : i32
          scf.if %cond3A_252 {
            "tpu.trace_start"() <{level = 10 : i32, message = "ep_copy_out"}> : () -> ()
            %rem3A_299 = arith.constant 2 : i32
            %rem3A_300 = arith.remui %while3A_150, %rem3A_299 : i32
            %mul3A_301 = arith.constant 384 : i32
            %mul3A_302 = arith.muli %mul3A_301, %add3A_160 : i32
            %eq3A_303 = arith.constant 260 : i32
            %eq3A_304 = arith.cmpi eq, %add3A_160, %eq3A_303 : i32
            %jit3A_305 = arith.constant 160 : i32
            %jit3A_306 = arith.constant 384 : i32
            %select_n3A_307 = arith.select %eq3A_304, %jit3A_305, %jit3A_306 : i32
            %multiple_of3A = tpu.assume_multiple %select_n3A_307, 8 : i32
            %mul3A_308 = arith.constant 384 : i32
            %mul3A_309 = arith.muli %add3A_160, %mul3A_308 : i32
            %dma_start3A_310 = arith.constant 0 : i32
            %dma_start3A_311 = arith.constant 0 : i32
            %dma_start3A_312 = tpu.memref_slice %run_scoped3A_20[%rem3A_300, %dma_start3A_310, %dma_start3A_311] <%multiple_of3A> : memref<2x384x128xf32, #tpu.memory_space<vmem>> -> memref<1x?x128xf32, #tpu.memory_space<vmem>>
            %dma_start3A_313 = tpu.memref_squeeze %dma_start3A_312 : memref<1x?x128xf32, #tpu.memory_space<vmem>> -> memref<?x128xf32, #tpu.memory_space<vmem>>
            %dma_start3A_314 = arith.constant 0 : i32
            %dma_start3A_315 = tpu.memref_slice %arg4[%mul3A_309, %dma_start3A_314] <%multiple_of3A> : memref<100000x128xf32, #tpu.memory_space<hbm>> -> memref<?x128xf32, #tpu.memory_space<hbm>>
            %dma_start3A_316 = tpu.memref_slice %run_scoped3A_21[%rem3A_300] : memref<2x!tpu.dma_semaphore, #tpu.memory_space<semaphore_mem>> -> memref<1x!tpu.dma_semaphore, #tpu.memory_space<semaphore_mem>>
            %dma_start3A_317 = tpu.memref_squeeze %dma_start3A_316 : memref<1x!tpu.dma_semaphore, #tpu.memory_space<semaphore_mem>> -> memref<!tpu.dma_semaphore, #tpu.memory_space<semaphore_mem>>
            %dma_start3A_318 = arith.constant 0 : i32
            %dma_start3A_319 = tpu.memref_slice %arg4[%mul3A_309, %dma_start3A_318] <%multiple_of3A> : memref<100000x128xf32, #tpu.memory_space<hbm>> -> memref<?x128xf32, #tpu.memory_space<hbm>>
            %dma_start3A_320 = arith.constant 0 : i32
            %dma_start3A_321 = arith.constant 0 : i32
            %dma_start3A_322 = tpu.memref_slice %run_scoped3A_20[%rem3A_300, %dma_start3A_320, %dma_start3A_321] <%multiple_of3A> : memref<2x384x128xf32, #tpu.memory_space<vmem>> -> memref<1x?x128xf32, #tpu.memory_space<vmem>>
            %dma_start3A_323 = tpu.memref_squeeze %dma_start3A_322 : memref<1x?x128xf32, #tpu.memory_space<vmem>> -> memref<?x128xf32, #tpu.memory_space<vmem>>
            tpu.enqueue_dma source(%dma_start3A_323 : memref<?x128xf32, #tpu.memory_space<vmem>>) target(%dma_start3A_319 : memref<?x128xf32, #tpu.memory_space<hbm>>) target_semaphore(%dma_start3A_317 : memref<!tpu.dma_semaphore, #tpu.memory_space<semaphore_mem>>)
            "tpu.trace_stop"() : () -> ()
          } else {
          }
          %and3A_253 = arith.constant true
          %and3A_254 = arith.andi %or3A_249, %and3A_253 : i1
          %add3A_255 = arith.constant 1 : i32
          %add3A_256 = arith.addi %while3A_150, %add3A_255 : i32
          %select_n3A_257 = arith.select %and3A_254, %add3A_256, %while3A_150 : i32
          %ne3A_258 = arith.cmpi ne, %add3A_160, %add3A_170 : i32
          %or3A_259 = arith.constant false
          %or3A_260 = arith.ori %or3A_259, %ne3A_258 : i1
          %not3A_261 = arith.constant true
          %not3A_262 = arith.xori %eq3A_156, %not3A_261 : i1
          %and3A_263 = arith.andi %or3A_260, %not3A_262 : i1
          %convert_element_type3A_264 = arith.extui %and3A_263 : i1 to i32
          %cond3A_265 = arith.constant 0 : i32
          %cond3A_266 = arith.cmpi ne, %convert_element_type3A_264, %cond3A_265 : i32
          scf.if %cond3A_266 {
          } else {
          }
          %and3A_267 = arith.constant false
          %and3A_268 = arith.andi %and3A_263, %and3A_267 : i1
          %ne3A_269 = arith.cmpi ne, %add3A_160, %add3A_170 : i32
          %or3A_270 = arith.constant false
          %or3A_271 = arith.ori %or3A_270, %ne3A_269 : i1
          %or3A_272 = arith.constant false
          %or3A_273 = arith.ori %or3A_271, %or3A_272 : i1
          %not3A_274 = arith.constant true
          %not3A_275 = arith.xori %eq3A_156, %not3A_274 : i1
          %and3A_276 = arith.andi %or3A_273, %not3A_275 : i1
          %convert_element_type3A_277 = arith.extui %and3A_276 : i1 to i32
          %cond3A_278 = arith.constant 0 : i32
          %cond3A_279 = arith.cmpi ne, %convert_element_type3A_277, %cond3A_278 : i32
          scf.if %cond3A_279 {
            "tpu.trace_start"() <{level = 10 : i32, message = "ep_wait_out"}> : () -> ()
            %rem3A_299 = arith.constant 2 : i32
            %rem3A_300 = arith.remui %while3A_151, %rem3A_299 : i32
            %mul3A_301 = arith.constant 384 : i32
            %mul3A_302 = arith.muli %mul3A_301, %add3A_170 : i32
            %eq3A_303 = arith.constant 260 : i32
            %eq3A_304 = arith.cmpi eq, %add3A_170, %eq3A_303 : i32
            %jit3A_305 = arith.constant 160 : i32
            %jit3A_306 = arith.constant 384 : i32
            %select_n3A_307 = arith.select %eq3A_304, %jit3A_305, %jit3A_306 : i32
            %multiple_of3A = tpu.assume_multiple %select_n3A_307, 8 : i32
            %mul3A_308 = arith.constant 384 : i32
            %mul3A_309 = arith.muli %add3A_170, %mul3A_308 : i32
            %dma_wait3A = arith.constant 0 : i32
            %dma_wait3A_310 = arith.constant 0 : i32
            %dma_wait3A_311 = tpu.memref_slice %run_scoped3A_20[%rem3A_300, %dma_wait3A, %dma_wait3A_310] <%multiple_of3A> : memref<2x384x128xf32, #tpu.memory_space<vmem>> -> memref<1x?x128xf32, #tpu.memory_space<vmem>>
            %dma_wait3A_312 = tpu.memref_squeeze %dma_wait3A_311 : memref<1x?x128xf32, #tpu.memory_space<vmem>> -> memref<?x128xf32, #tpu.memory_space<vmem>>
            %dma_wait3A_313 = arith.constant 0 : i32
            %dma_wait3A_314 = tpu.memref_slice %arg4[%mul3A_309, %dma_wait3A_313] <%multiple_of3A> : memref<100000x128xf32, #tpu.memory_space<hbm>> -> memref<?x128xf32, #tpu.memory_space<hbm>>
            %dma_wait3A_315 = tpu.memref_slice %run_scoped3A_21[%rem3A_300] : memref<2x!tpu.dma_semaphore, #tpu.memory_space<semaphore_mem>> -> memref<1x!tpu.dma_semaphore, #tpu.memory_space<semaphore_mem>>
            %dma_wait3A_316 = tpu.memref_squeeze %dma_wait3A_315 : memref<1x!tpu.dma_semaphore, #tpu.memory_space<semaphore_mem>> -> memref<!tpu.dma_semaphore, #tpu.memory_space<semaphore_mem>>
            %dma_wait3A_317 = arith.constant 0 : i32
            %dma_wait3A_318 = tpu.memref_slice %arg4[%mul3A_309, %dma_wait3A_317] <%multiple_of3A> : memref<100000x128xf32, #tpu.memory_space<hbm>> -> memref<?x128xf32, #tpu.memory_space<hbm>>
            %dma_wait3A_319 = arith.constant 0 : i32
            %dma_wait3A_320 = arith.constant 0 : i32
            %dma_wait3A_321 = tpu.memref_slice %run_scoped3A_20[%rem3A_300, %dma_wait3A_319, %dma_wait3A_320] <%multiple_of3A> : memref<2x384x128xf32, #tpu.memory_space<vmem>> -> memref<1x?x128xf32, #tpu.memory_space<vmem>>
            %dma_wait3A_322 = tpu.memref_squeeze %dma_wait3A_321 : memref<1x?x128xf32, #tpu.memory_space<vmem>> -> memref<?x128xf32, #tpu.memory_space<vmem>>
            tpu.wait_dma2 semaphore(%dma_wait3A_316 : memref<!tpu.dma_semaphore, #tpu.memory_space<semaphore_mem>>) src(%dma_wait3A_322 : memref<?x128xf32, #tpu.memory_space<vmem>>) dst(%dma_wait3A_318 : memref<?x128xf32, #tpu.memory_space<hbm>>)
            "tpu.trace_stop"() : () -> ()
          } else {
          }
          %and3A_280 = arith.constant true
          %and3A_281 = arith.andi %and3A_276, %and3A_280 : i1
          %add3A_282 = arith.constant 1 : i32
          %add3A_283 = arith.addi %while3A_151, %add3A_282 : i32
          %select_n3A_284 = arith.select %and3A_281, %add3A_283, %while3A_151 : i32
          %ne3A_285 = arith.cmpi ne, %add3A_160, %add3A_178 : i32
          %or3A_286 = arith.constant false
          %or3A_287 = arith.ori %or3A_286, %ne3A_285 : i1
          %or3A_288 = arith.ori %or3A_287, %eq3A_159 : i1
          %add3A_289 = arith.constant 1 : i32
          %add3A_290 = arith.addi %while3A_149, %add3A_289 : i32
          %select_n3A_291 = arith.select %or3A_288, %add3A_290, %while3A_149 : i32
          %add3A_292 = arith.constant 1 : i32
          %add3A_293 = arith.addi %while3A_152, %add3A_292 : i32
          %select_n3A_294 = arith.constant true
          %select_n3A_295 = arith.select %select_n3A_294, %add3A_293, %while3A_152 : i32
          %eq3A_296 = arith.cmpi eq, %select_n3A_295, %select_n3A : i32
          %select_n3A_297 = arith.constant 0 : i32
          %select_n3A_298 = arith.select %eq3A_296, %select_n3A_297, %select_n3A_295 : i32
          scf.yield %select_n3A_200, %select_n3A_291, %select_n3A_257, %select_n3A_284, %select_n3A_298 : i32, i32, i32, i32, i32
        }
        %while3A_94 = arith.constant 1 : i32
        %while3A_95:5 = scf.for %while3A_147 = %while3A_91 to %while3A_87 step %while3A_94 iter_args(%while3A_148 = %while3A_93#0, %while3A_149 = %while3A_93#1, %while3A_150 = %while3A_93#2, %while3A_151 = %while3A_93#3, %while3A_152 = %while3A_93#4) -> (i32, i32, i32, i32, i32)  : i32 {
          %mul3A_153 = arith.constant 1 : i32
          %mul3A_154 = arith.muli %mul3A_153, %select_n3A : i32
          %eq3A_155 = arith.constant 0 : i32
          %eq3A_156 = arith.cmpi eq, %while3A_147, %eq3A_155 : i32
          %sub3A_157 = arith.constant 1 : i32
          %sub3A_158 = arith.subi %mul3A_154, %sub3A_157 : i32
          %eq3A_159 = arith.cmpi eq, %while3A_147, %sub3A_158 : i32
          %add3A_160 = arith.addi %while3A_152, %select_n3A_16 : i32
          %sub3A_161 = arith.constant 1 : i32
          %sub3A_162 = arith.subi %while3A_152, %sub3A_161 : i32
          %select_n3A_163 = arith.constant true
          %select_n3A_164 = arith.select %select_n3A_163, %sub3A_162, %while3A_152 : i32
          %eq3A_165 = arith.constant -1 : i32
          %eq3A_166 = arith.cmpi eq, %select_n3A_164, %eq3A_165 : i32
          %sub3A_167 = arith.constant 1 : i32
          %sub3A_168 = arith.subi %select_n3A, %sub3A_167 : i32
          %select_n3A_169 = arith.select %eq3A_166, %sub3A_168, %select_n3A_164 : i32
          %add3A_170 = arith.addi %select_n3A_169, %select_n3A_16 : i32
          %add3A_171 = arith.constant 1 : i32
          %add3A_172 = arith.addi %while3A_152, %add3A_171 : i32
          %select_n3A_173 = arith.constant true
          %select_n3A_174 = arith.select %select_n3A_173, %add3A_172, %while3A_152 : i32
          %eq3A_175 = arith.cmpi eq, %select_n3A_174, %select_n3A : i32
          %select_n3A_176 = arith.constant 0 : i32
          %select_n3A_177 = arith.select %eq3A_175, %select_n3A_176, %select_n3A_174 : i32
          %add3A_178 = arith.addi %select_n3A_177, %select_n3A_16 : i32
          %add3A_179 = arith.constant 1 : i32
          %add3A_180 = arith.addi %select_n3A_177, %add3A_179 : i32
          %select_n3A_181 = arith.constant true
          %select_n3A_182 = arith.select %select_n3A_181, %add3A_180, %select_n3A_177 : i32
          %eq3A_183 = arith.cmpi eq, %select_n3A_182, %select_n3A : i32
          %select_n3A_184 = arith.constant 0 : i32
          %select_n3A_185 = arith.select %eq3A_183, %select_n3A_184, %select_n3A_182 : i32
          %add3A_186 = arith.addi %select_n3A_185, %select_n3A_16 : i32
          %ne3A = arith.cmpi ne, %add3A_160, %add3A_178 : i32
          %or3A = arith.constant false
          %or3A_187 = arith.ori %or3A, %ne3A : i1
          %sub3A_188 = arith.constant 2 : i32
          %sub3A_189 = arith.subi %mul3A_154, %sub3A_188 : i32
          %add3A_190 = arith.constant 1 : i32
          %add3A_191 = arith.addi %sub3A_189, %add3A_190 : i32
          %ge3A = arith.cmpi sge, %while3A_147, %add3A_191 : i32
          %not3A = arith.constant true
          %not3A_192 = arith.xori %ge3A, %not3A : i1
          %and3A = arith.andi %or3A_187, %not3A_192 : i1
          %convert_element_type3A_193 = arith.extui %and3A : i1 to i32
          %cond3A_194 = arith.constant 0 : i32
          %cond3A_195 = arith.cmpi ne, %convert_element_type3A_193, %cond3A_194 : i32
          scf.if %cond3A_195 {
            "tpu.trace_start"() <{level = 10 : i32, message = "ep_copy_in"}> : () -> ()
            %rem3A_299 = arith.constant 2 : i32
            %rem3A_300 = arith.remui %while3A_148, %rem3A_299 : i32
            %mul3A_301 = arith.constant 384 : i32
            %mul3A_302 = arith.muli %mul3A_301, %add3A_178 : i32
            %dma_start3A_303 = arith.constant 0 : i32
            %dma_start3A_304 = arith.constant 0 : i32
            %dma_start3A_305 = tpu.memref_slice %run_scoped3A[%rem3A_300, %dma_start3A_303, %dma_start3A_304] : memref<2x1x384xi32, #tpu.memory_space<vmem>> -> memref<1x1x384xi32, #tpu.memory_space<vmem>>
            %dma_start3A_306 = tpu.memref_squeeze %dma_start3A_305 : memref<1x1x384xi32, #tpu.memory_space<vmem>> -> memref<1x384xi32, #tpu.memory_space<vmem>>
            %dma_start3A_307 = arith.constant 0 : i32
            %dma_start3A_308 = tpu.memref_slice %arg3[%dma_start3A_307, %mul3A_302] : memref<1x100224xi32, #tpu.memory_space<hbm>> -> memref<1x384xi32, #tpu.memory_space<hbm>>
            %dma_start3A_309 = tpu.memref_slice %run_scoped3A_19[%rem3A_300] : memref<2x!tpu.dma_semaphore, #tpu.memory_space<semaphore_mem>> -> memref<1x!tpu.dma_semaphore, #tpu.memory_space<semaphore_mem>>
            %dma_start3A_310 = tpu.memref_squeeze %dma_start3A_309 : memref<1x!tpu.dma_semaphore, #tpu.memory_space<semaphore_mem>> -> memref<!tpu.dma_semaphore, #tpu.memory_space<semaphore_mem>>
            %dma_start3A_311 = arith.constant 0 : i32
            %dma_start3A_312 = arith.constant 0 : i32
            %dma_start3A_313 = tpu.memref_slice %run_scoped3A[%rem3A_300, %dma_start3A_311, %dma_start3A_312] : memref<2x1x384xi32, #tpu.memory_space<vmem>> -> memref<1x1x384xi32, #tpu.memory_space<vmem>>
            %dma_start3A_314 = tpu.memref_squeeze %dma_start3A_313 : memref<1x1x384xi32, #tpu.memory_space<vmem>> -> memref<1x384xi32, #tpu.memory_space<vmem>>
            %dma_start3A_315 = arith.constant 0 : i32
            %dma_start3A_316 = tpu.memref_slice %arg3[%dma_start3A_315, %mul3A_302] : memref<1x100224xi32, #tpu.memory_space<hbm>> -> memref<1x384xi32, #tpu.memory_space<hbm>>
            tpu.enqueue_dma source(%dma_start3A_316 : memref<1x384xi32, #tpu.memory_space<hbm>>) target(%dma_start3A_314 : memref<1x384xi32, #tpu.memory_space<vmem>>) target_semaphore(%dma_start3A_310 : memref<!tpu.dma_semaphore, #tpu.memory_space<semaphore_mem>>)
            "tpu.trace_stop"() : () -> ()
          } else {
          }
          %and3A_196 = arith.constant true
          %and3A_197 = arith.andi %and3A, %and3A_196 : i1
          %add3A_198 = arith.constant 1 : i32
          %add3A_199 = arith.addi %while3A_148, %add3A_198 : i32
          %select_n3A_200 = arith.select %and3A_197, %add3A_199, %while3A_148 : i32
          %ne3A_201 = arith.cmpi ne, %add3A_160, %add3A_178 : i32
          %or3A_202 = arith.constant false
          %or3A_203 = arith.ori %or3A_202, %ne3A_201 : i1
          %or3A_204 = arith.constant false
          %or3A_205 = arith.ori %or3A_203, %or3A_204 : i1
          %sub3A_206 = arith.constant 2 : i32
          %sub3A_207 = arith.subi %mul3A_154, %sub3A_206 : i32
          %add3A_208 = arith.constant 1 : i32
          %add3A_209 = arith.addi %sub3A_207, %add3A_208 : i32
          %ge3A_210 = arith.cmpi sge, %while3A_147, %add3A_209 : i32
          %not3A_211 = arith.constant true
          %not3A_212 = arith.xori %ge3A_210, %not3A_211 : i1
          %and3A_213 = arith.andi %or3A_205, %not3A_212 : i1
          %ne3A_214 = arith.cmpi ne, %add3A_160, %add3A_170 : i32
          %or3A_215 = arith.constant false
          %or3A_216 = arith.ori %or3A_215, %ne3A_214 : i1
          %or3A_217 = arith.ori %or3A_216, %eq3A_156 : i1
          %convert_element_type3A_218 = arith.extui %or3A_217 : i1 to i32
          %cond3A_219 = arith.constant 0 : i32
          %cond3A_220 = arith.cmpi ne, %convert_element_type3A_218, %cond3A_219 : i32
          scf.if %cond3A_220 {
            "tpu.trace_start"() <{level = 10 : i32, message = "ep_wait_in"}> : () -> ()
            %mul3A_299 = arith.constant 384 : i32
            %mul3A_300 = arith.muli %mul3A_299, %add3A_160 : i32
            %rem3A_301 = arith.constant 2 : i32
            %rem3A_302 = arith.remui %while3A_149, %rem3A_301 : i32
            %dma_wait3A = arith.constant 0 : i32
            %dma_wait3A_303 = arith.constant 0 : i32
            %dma_wait3A_304 = tpu.memref_slice %run_scoped3A[%rem3A_302, %dma_wait3A, %dma_wait3A_303] : memref<2x1x384xi32, #tpu.memory_space<vmem>> -> memref<1x1x384xi32, #tpu.memory_space<vmem>>
            %dma_wait3A_305 = tpu.memref_squeeze %dma_wait3A_304 : memref<1x1x384xi32, #tpu.memory_space<vmem>> -> memref<1x384xi32, #tpu.memory_space<vmem>>
            %dma_wait3A_306 = arith.constant 0 : i32
            %dma_wait3A_307 = tpu.memref_slice %arg3[%dma_wait3A_306, %mul3A_300] : memref<1x100224xi32, #tpu.memory_space<hbm>> -> memref<1x384xi32, #tpu.memory_space<hbm>>
            %dma_wait3A_308 = tpu.memref_slice %run_scoped3A_19[%rem3A_302] : memref<2x!tpu.dma_semaphore, #tpu.memory_space<semaphore_mem>> -> memref<1x!tpu.dma_semaphore, #tpu.memory_space<semaphore_mem>>
            %dma_wait3A_309 = tpu.memref_squeeze %dma_wait3A_308 : memref<1x!tpu.dma_semaphore, #tpu.memory_space<semaphore_mem>> -> memref<!tpu.dma_semaphore, #tpu.memory_space<semaphore_mem>>
            %dma_wait3A_310 = arith.constant 0 : i32
            %dma_wait3A_311 = arith.constant 0 : i32
            %dma_wait3A_312 = tpu.memref_slice %run_scoped3A[%rem3A_302, %dma_wait3A_310, %dma_wait3A_311] : memref<2x1x384xi32, #tpu.memory_space<vmem>> -> memref<1x1x384xi32, #tpu.memory_space<vmem>>
            %dma_wait3A_313 = tpu.memref_squeeze %dma_wait3A_312 : memref<1x1x384xi32, #tpu.memory_space<vmem>> -> memref<1x384xi32, #tpu.memory_space<vmem>>
            %dma_wait3A_314 = arith.constant 0 : i32
            %dma_wait3A_315 = tpu.memref_slice %arg3[%dma_wait3A_314, %mul3A_300] : memref<1x100224xi32, #tpu.memory_space<hbm>> -> memref<1x384xi32, #tpu.memory_space<hbm>>
            tpu.wait_dma2 semaphore(%dma_wait3A_309 : memref<!tpu.dma_semaphore, #tpu.memory_space<semaphore_mem>>) src(%dma_wait3A_315 : memref<1x384xi32, #tpu.memory_space<hbm>>) dst(%dma_wait3A_313 : memref<1x384xi32, #tpu.memory_space<vmem>>)
            "tpu.trace_stop"() : () -> ()
          } else {
          }
          %ne3A_221 = arith.cmpi ne, %add3A_160, %add3A_170 : i32
          %or3A_222 = arith.constant false
          %or3A_223 = arith.ori %or3A_222, %ne3A_221 : i1
          %or3A_224 = arith.constant false
          %or3A_225 = arith.ori %or3A_223, %or3A_224 : i1
          %or3A_226 = arith.ori %or3A_225, %eq3A_156 : i1
          %convert_element_type3A_227 = arith.extui %or3A_226 : i1 to i32
          %cond3A_228 = arith.constant 0 : i32
          %cond3A_229 = arith.cmpi ne, %convert_element_type3A_227, %cond3A_228 : i32
          scf.if %cond3A_229 {
          } else {
          }
          %rem3A_230 = arith.constant 2 : i32
          %rem3A_231 = arith.remui %while3A_149, %rem3A_230 : i32
          %rem3A_232 = arith.constant 2 : i32
          %rem3A_233 = arith.remui %while3A_150, %rem3A_232 : i32
          %run_scoped3A_234 = arith.constant 0 : i32
          "tpu.trace_start"() <{level = 10 : i32, message = "ep_run_kernel"}> : () -> ()
          "tpu.region"() ({
            %run_scoped3A_299 = tpu.sem_alloc : memref<!tpu.dma_semaphore, #tpu.memory_space<semaphore_mem>>
            %dma_start3A_300 = arith.constant 0 : i32
            %dma_start3A_301 = arith.constant 0 : i32
            %dma_start3A_302 = tpu.memref_slice %run_scoped3A_20[%rem3A_233, %dma_start3A_300, %dma_start3A_301] : memref<2x384x128xf32, #tpu.memory_space<vmem>> -> memref<1x384x128xf32, #tpu.memory_space<vmem>>
            %dma_start3A_303 = tpu.memref_squeeze %dma_start3A_302 : memref<1x384x128xf32, #tpu.memory_space<vmem>> -> memref<384x128xf32, #tpu.memory_space<vmem>>
            %dma_start3A_304 = arith.constant 0 : i32
            %dma_start3A_305 = arith.constant 0 : i32
            %dma_start3A_306 = tpu.memref_slice %run_scoped3A[%rem3A_231, %dma_start3A_304, %dma_start3A_305] : memref<2x1x384xi32, #tpu.memory_space<vmem>> -> memref<1x1x384xi32, #tpu.memory_space<vmem>>
            %dma_start3A_307 = tpu.memref_squeeze %dma_start3A_306 : memref<1x1x384xi32, #tpu.memory_space<vmem>> -> memref<1x384xi32, #tpu.memory_space<vmem>>
            %dma_start3A_308 = arith.constant 0 : i32
            %dma_start3A_309 = tpu.memref_slice %dma_start3A_307[%run_scoped3A_234, %dma_start3A_308] : memref<1x384xi32, #tpu.memory_space<vmem>> -> memref<1x384xi32, #tpu.memory_space<vmem>>
            %dma_start3A_310 = tpu.memref_squeeze %dma_start3A_309 : memref<1x384xi32, #tpu.memory_space<vmem>> -> memref<384xi32, #tpu.memory_space<vmem>>
            %dma_start3A_311 = arith.constant 0 : i32
            %dma_start3A_312 = arith.constant 0 : i32
            %dma_start3A_313 = tpu.memref_slice %arg5[%dma_start3A_311, %dma_start3A_312] : memref<128x128xf32, #tpu.memory_space<vmem_shared>> -> memref<128x128xf32, #tpu.memory_space<vmem_shared>>
            tpu.enqueue_indirect_dma source(%dma_start3A_313 : memref<128x128xf32, #tpu.memory_space<vmem_shared>>) target(%dma_start3A_303 : memref<384x128xf32, #tpu.memory_space<vmem>>) offsets(%dma_start3A_310 : memref<384xi32, #tpu.memory_space<vmem>>) semaphore(%run_scoped3A_299 : memref<!tpu.dma_semaphore, #tpu.memory_space<semaphore_mem>>)
            %dma_wait3A = arith.constant 0 : i32
            %dma_wait3A_314 = arith.constant 0 : i32
            %dma_wait3A_315 = tpu.memref_slice %run_scoped3A_20[%rem3A_233, %dma_wait3A, %dma_wait3A_314] : memref<2x384x128xf32, #tpu.memory_space<vmem>> -> memref<1x384x128xf32, #tpu.memory_space<vmem>>
            %dma_wait3A_316 = tpu.memref_squeeze %dma_wait3A_315 : memref<1x384x128xf32, #tpu.memory_space<vmem>> -> memref<384x128xf32, #tpu.memory_space<vmem>>
            %dma_wait3A_317 = arith.constant 0 : i32
            %dma_wait3A_318 = arith.constant 0 : i32
            %dma_wait3A_319 = tpu.memref_slice %run_scoped3A[%rem3A_231, %dma_wait3A_317, %dma_wait3A_318] : memref<2x1x384xi32, #tpu.memory_space<vmem>> -> memref<1x1x384xi32, #tpu.memory_space<vmem>>
            %dma_wait3A_320 = tpu.memref_squeeze %dma_wait3A_319 : memref<1x1x384xi32, #tpu.memory_space<vmem>> -> memref<1x384xi32, #tpu.memory_space<vmem>>
            %dma_wait3A_321 = arith.constant 0 : i32
            %dma_wait3A_322 = tpu.memref_slice %dma_wait3A_320[%run_scoped3A_234, %dma_wait3A_321] : memref<1x384xi32, #tpu.memory_space<vmem>> -> memref<1x384xi32, #tpu.memory_space<vmem>>
            %dma_wait3A_323 = tpu.memref_squeeze %dma_wait3A_322 : memref<1x384xi32, #tpu.memory_space<vmem>> -> memref<384xi32, #tpu.memory_space<vmem>>
            %dma_wait3A_324 = arith.constant 0 : i32
            %dma_wait3A_325 = arith.constant 0 : i32
            %dma_wait3A_326 = tpu.memref_slice %arg5[%dma_wait3A_324, %dma_wait3A_325] : memref<128x128xf32, #tpu.memory_space<vmem_shared>> -> memref<128x128xf32, #tpu.memory_space<vmem_shared>>
            tpu.wait_indirect_dma semaphore(%run_scoped3A_299 : memref<!tpu.dma_semaphore, #tpu.memory_space<semaphore_mem>>) src(%dma_wait3A_326 : memref<128x128xf32, #tpu.memory_space<vmem_shared>>) dst(%dma_wait3A_316 : memref<384x128xf32, #tpu.memory_space<vmem>>)
            tpu.yield
          }) : () -> ()
          "tpu.trace_stop"() : () -> ()
          %ne3A_235 = arith.cmpi ne, %add3A_160, %add3A_178 : i32
          %or3A_236 = arith.constant false
          %or3A_237 = arith.ori %or3A_236, %ne3A_235 : i1
          %or3A_238 = arith.ori %or3A_237, %eq3A_159 : i1
          %convert_element_type3A_239 = arith.extui %or3A_238 : i1 to i32
          %cond3A_240 = arith.constant 0 : i32
          %cond3A_241 = arith.cmpi ne, %convert_element_type3A_239, %cond3A_240 : i32
          scf.if %cond3A_241 {
          } else {
          }
          %and3A_242 = arith.constant false
          %and3A_243 = arith.andi %or3A_238, %and3A_242 : i1
          %ne3A_244 = arith.cmpi ne, %add3A_160, %add3A_178 : i32
          %or3A_245 = arith.constant false
          %or3A_246 = arith.ori %or3A_245, %ne3A_244 : i1
          %or3A_247 = arith.constant false
          %or3A_248 = arith.ori %or3A_246, %or3A_247 : i1
          %or3A_249 = arith.ori %or3A_248, %eq3A_159 : i1
          %convert_element_type3A_250 = arith.extui %or3A_249 : i1 to i32
          %cond3A_251 = arith.constant 0 : i32
          %cond3A_252 = arith.cmpi ne, %convert_element_type3A_250, %cond3A_251 : i32
          scf.if %cond3A_252 {
            "tpu.trace_start"() <{level = 10 : i32, message = "ep_copy_out"}> : () -> ()
            %rem3A_299 = arith.constant 2 : i32
            %rem3A_300 = arith.remui %while3A_150, %rem3A_299 : i32
            %mul3A_301 = arith.constant 384 : i32
            %mul3A_302 = arith.muli %mul3A_301, %add3A_160 : i32
            %eq3A_303 = arith.constant 260 : i32
            %eq3A_304 = arith.cmpi eq, %add3A_160, %eq3A_303 : i32
            %jit3A_305 = arith.constant 160 : i32
            %jit3A_306 = arith.constant 384 : i32
            %select_n3A_307 = arith.select %eq3A_304, %jit3A_305, %jit3A_306 : i32
            %multiple_of3A = tpu.assume_multiple %select_n3A_307, 8 : i32
            %mul3A_308 = arith.constant 384 : i32
            %mul3A_309 = arith.muli %add3A_160, %mul3A_308 : i32
            %dma_start3A_310 = arith.constant 0 : i32
            %dma_start3A_311 = arith.constant 0 : i32
            %dma_start3A_312 = tpu.memref_slice %run_scoped3A_20[%rem3A_300, %dma_start3A_310, %dma_start3A_311] <%multiple_of3A> : memref<2x384x128xf32, #tpu.memory_space<vmem>> -> memref<1x?x128xf32, #tpu.memory_space<vmem>>
            %dma_start3A_313 = tpu.memref_squeeze %dma_start3A_312 : memref<1x?x128xf32, #tpu.memory_space<vmem>> -> memref<?x128xf32, #tpu.memory_space<vmem>>
            %dma_start3A_314 = arith.constant 0 : i32
            %dma_start3A_315 = tpu.memref_slice %arg4[%mul3A_309, %dma_start3A_314] <%multiple_of3A> : memref<100000x128xf32, #tpu.memory_space<hbm>> -> memref<?x128xf32, #tpu.memory_space<hbm>>
            %dma_start3A_316 = tpu.memref_slice %run_scoped3A_21[%rem3A_300] : memref<2x!tpu.dma_semaphore, #tpu.memory_space<semaphore_mem>> -> memref<1x!tpu.dma_semaphore, #tpu.memory_space<semaphore_mem>>
            %dma_start3A_317 = tpu.memref_squeeze %dma_start3A_316 : memref<1x!tpu.dma_semaphore, #tpu.memory_space<semaphore_mem>> -> memref<!tpu.dma_semaphore, #tpu.memory_space<semaphore_mem>>
            %dma_start3A_318 = arith.constant 0 : i32
            %dma_start3A_319 = tpu.memref_slice %arg4[%mul3A_309, %dma_start3A_318] <%multiple_of3A> : memref<100000x128xf32, #tpu.memory_space<hbm>> -> memref<?x128xf32, #tpu.memory_space<hbm>>
            %dma_start3A_320 = arith.constant 0 : i32
            %dma_start3A_321 = arith.constant 0 : i32
            %dma_start3A_322 = tpu.memref_slice %run_scoped3A_20[%rem3A_300, %dma_start3A_320, %dma_start3A_321] <%multiple_of3A> : memref<2x384x128xf32, #tpu.memory_space<vmem>> -> memref<1x?x128xf32, #tpu.memory_space<vmem>>
            %dma_start3A_323 = tpu.memref_squeeze %dma_start3A_322 : memref<1x?x128xf32, #tpu.memory_space<vmem>> -> memref<?x128xf32, #tpu.memory_space<vmem>>
            tpu.enqueue_dma source(%dma_start3A_323 : memref<?x128xf32, #tpu.memory_space<vmem>>) target(%dma_start3A_319 : memref<?x128xf32, #tpu.memory_space<hbm>>) target_semaphore(%dma_start3A_317 : memref<!tpu.dma_semaphore, #tpu.memory_space<semaphore_mem>>)
            "tpu.trace_stop"() : () -> ()
          } else {
          }
          %and3A_253 = arith.constant true
          %and3A_254 = arith.andi %or3A_249, %and3A_253 : i1
          %add3A_255 = arith.constant 1 : i32
          %add3A_256 = arith.addi %while3A_150, %add3A_255 : i32
          %select_n3A_257 = arith.select %and3A_254, %add3A_256, %while3A_150 : i32
          %ne3A_258 = arith.cmpi ne, %add3A_160, %add3A_170 : i32
          %or3A_259 = arith.constant false
          %or3A_260 = arith.ori %or3A_259, %ne3A_258 : i1
          %not3A_261 = arith.constant true
          %not3A_262 = arith.xori %eq3A_156, %not3A_261 : i1
          %and3A_263 = arith.andi %or3A_260, %not3A_262 : i1
          %convert_element_type3A_264 = arith.extui %and3A_263 : i1 to i32
          %cond3A_265 = arith.constant 0 : i32
          %cond3A_266 = arith.cmpi ne, %convert_element_type3A_264, %cond3A_265 : i32
          scf.if %cond3A_266 {
          } else {
          }
          %and3A_267 = arith.constant false
          %and3A_268 = arith.andi %and3A_263, %and3A_267 : i1
          %ne3A_269 = arith.cmpi ne, %add3A_160, %add3A_170 : i32
          %or3A_270 = arith.constant false
          %or3A_271 = arith.ori %or3A_270, %ne3A_269 : i1
          %or3A_272 = arith.constant false
          %or3A_273 = arith.ori %or3A_271, %or3A_272 : i1
          %not3A_274 = arith.constant true
          %not3A_275 = arith.xori %eq3A_156, %not3A_274 : i1
          %and3A_276 = arith.andi %or3A_273, %not3A_275 : i1
          %convert_element_type3A_277 = arith.extui %and3A_276 : i1 to i32
          %cond3A_278 = arith.constant 0 : i32
          %cond3A_279 = arith.cmpi ne, %convert_element_type3A_277, %cond3A_278 : i32
          scf.if %cond3A_279 {
            "tpu.trace_start"() <{level = 10 : i32, message = "ep_wait_out"}> : () -> ()
            %rem3A_299 = arith.constant 2 : i32
            %rem3A_300 = arith.remui %while3A_151, %rem3A_299 : i32
            %mul3A_301 = arith.constant 384 : i32
            %mul3A_302 = arith.muli %mul3A_301, %add3A_170 : i32
            %eq3A_303 = arith.constant 260 : i32
            %eq3A_304 = arith.cmpi eq, %add3A_170, %eq3A_303 : i32
            %jit3A_305 = arith.constant 160 : i32
            %jit3A_306 = arith.constant 384 : i32
            %select_n3A_307 = arith.select %eq3A_304, %jit3A_305, %jit3A_306 : i32
            %multiple_of3A = tpu.assume_multiple %select_n3A_307, 8 : i32
            %mul3A_308 = arith.constant 384 : i32
            %mul3A_309 = arith.muli %add3A_170, %mul3A_308 : i32
            %dma_wait3A = arith.constant 0 : i32
            %dma_wait3A_310 = arith.constant 0 : i32
            %dma_wait3A_311 = tpu.memref_slice %run_scoped3A_20[%rem3A_300, %dma_wait3A, %dma_wait3A_310] <%multiple_of3A> : memref<2x384x128xf32, #tpu.memory_space<vmem>> -> memref<1x?x128xf32, #tpu.memory_space<vmem>>
            %dma_wait3A_312 = tpu.memref_squeeze %dma_wait3A_311 : memref<1x?x128xf32, #tpu.memory_space<vmem>> -> memref<?x128xf32, #tpu.memory_space<vmem>>
            %dma_wait3A_313 = arith.constant 0 : i32
            %dma_wait3A_314 = tpu.memref_slice %arg4[%mul3A_309, %dma_wait3A_313] <%multiple_of3A> : memref<100000x128xf32, #tpu.memory_space<hbm>> -> memref<?x128xf32, #tpu.memory_space<hbm>>
            %dma_wait3A_315 = tpu.memref_slice %run_scoped3A_21[%rem3A_300] : memref<2x!tpu.dma_semaphore, #tpu.memory_space<semaphore_mem>> -> memref<1x!tpu.dma_semaphore, #tpu.memory_space<semaphore_mem>>
            %dma_wait3A_316 = tpu.memref_squeeze %dma_wait3A_315 : memref<1x!tpu.dma_semaphore, #tpu.memory_space<semaphore_mem>> -> memref<!tpu.dma_semaphore, #tpu.memory_space<semaphore_mem>>
            %dma_wait3A_317 = arith.constant 0 : i32
            %dma_wait3A_318 = tpu.memref_slice %arg4[%mul3A_309, %dma_wait3A_317] <%multiple_of3A> : memref<100000x128xf32, #tpu.memory_space<hbm>> -> memref<?x128xf32, #tpu.memory_space<hbm>>
            %dma_wait3A_319 = arith.constant 0 : i32
            %dma_wait3A_320 = arith.constant 0 : i32
            %dma_wait3A_321 = tpu.memref_slice %run_scoped3A_20[%rem3A_300, %dma_wait3A_319, %dma_wait3A_320] <%multiple_of3A> : memref<2x384x128xf32, #tpu.memory_space<vmem>> -> memref<1x?x128xf32, #tpu.memory_space<vmem>>
            %dma_wait3A_322 = tpu.memref_squeeze %dma_wait3A_321 : memref<1x?x128xf32, #tpu.memory_space<vmem>> -> memref<?x128xf32, #tpu.memory_space<vmem>>
            tpu.wait_dma2 semaphore(%dma_wait3A_316 : memref<!tpu.dma_semaphore, #tpu.memory_space<semaphore_mem>>) src(%dma_wait3A_322 : memref<?x128xf32, #tpu.memory_space<vmem>>) dst(%dma_wait3A_318 : memref<?x128xf32, #tpu.memory_space<hbm>>)
            "tpu.trace_stop"() : () -> ()
          } else {
          }
          %and3A_280 = arith.constant true
          %and3A_281 = arith.andi %and3A_276, %and3A_280 : i1
          %add3A_282 = arith.constant 1 : i32
          %add3A_283 = arith.addi %while3A_151, %add3A_282 : i32
          %select_n3A_284 = arith.select %and3A_281, %add3A_283, %while3A_151 : i32
          %ne3A_285 = arith.cmpi ne, %add3A_160, %add3A_178 : i32
          %or3A_286 = arith.constant false
          %or3A_287 = arith.ori %or3A_286, %ne3A_285 : i1
          %or3A_288 = arith.ori %or3A_287, %eq3A_159 : i1
          %add3A_289 = arith.constant 1 : i32
          %add3A_290 = arith.addi %while3A_149, %add3A_289 : i32
          %select_n3A_291 = arith.select %or3A_288, %add3A_290, %while3A_149 : i32
          %add3A_292 = arith.constant 1 : i32
          %add3A_293 = arith.addi %while3A_152, %add3A_292 : i32
          %select_n3A_294 = arith.constant true
          %select_n3A_295 = arith.select %select_n3A_294, %add3A_293, %while3A_152 : i32
          %eq3A_296 = arith.cmpi eq, %select_n3A_295, %select_n3A : i32
          %select_n3A_297 = arith.constant 0 : i32
          %select_n3A_298 = arith.select %eq3A_296, %select_n3A_297, %select_n3A_295 : i32
          scf.yield %select_n3A_200, %select_n3A_291, %select_n3A_257, %select_n3A_284, %select_n3A_298 : i32, i32, i32, i32, i32
        }
        %sub3A_96 = arith.constant 1 : i32
        %sub3A_97 = arith.subi %while3A_95#4, %sub3A_96 : i32
        %select_n3A_98 = arith.constant true
        %select_n3A_99 = arith.select %select_n3A_98, %sub3A_97, %while3A_95#4 : i32
        %eq3A_100 = arith.constant -1 : i32
        %eq3A_101 = arith.cmpi eq, %select_n3A_99, %eq3A_100 : i32
        %sub3A_102 = arith.constant 1 : i32
        %sub3A_103 = arith.subi %select_n3A, %sub3A_102 : i32
        %select_n3A_104 = arith.select %eq3A_101, %sub3A_103, %select_n3A_99 : i32
        %sub3A_105 = arith.constant 1 : i32
        %sub3A_106 = arith.subi %mul3A_18, %sub3A_105 : i32
        %mul3A_107 = arith.constant 1 : i32
        %mul3A_108 = arith.muli %mul3A_107, %select_n3A : i32
        %eq3A_109 = arith.constant 0 : i32
        %eq3A_110 = arith.cmpi eq, %sub3A_106, %eq3A_109 : i32
        %sub3A_111 = arith.constant 1 : i32
        %sub3A_112 = arith.subi %mul3A_108, %sub3A_111 : i32
        %eq3A_113 = arith.cmpi eq, %sub3A_106, %sub3A_112 : i32
        %add3A_114 = arith.addi %select_n3A_104, %select_n3A_16 : i32
        %sub3A_115 = arith.constant 1 : i32
        %sub3A_116 = arith.subi %select_n3A_104, %sub3A_115 : i32
        %select_n3A_117 = arith.constant true
        %select_n3A_118 = arith.select %select_n3A_117, %sub3A_116, %select_n3A_104 : i32
        %eq3A_119 = arith.constant -1 : i32
        %eq3A_120 = arith.cmpi eq, %select_n3A_118, %eq3A_119 : i32
        %sub3A_121 = arith.constant 1 : i32
        %sub3A_122 = arith.subi %select_n3A, %sub3A_121 : i32
        %select_n3A_123 = arith.select %eq3A_120, %sub3A_122, %select_n3A_118 : i32
        %add3A_124 = arith.addi %select_n3A_123, %select_n3A_16 : i32
        %add3A_125 = arith.constant 1 : i32
        %add3A_126 = arith.addi %select_n3A_104, %add3A_125 : i32
        %select_n3A_127 = arith.constant true
        %select_n3A_128 = arith.select %select_n3A_127, %add3A_126, %select_n3A_104 : i32
        %eq3A_129 = arith.cmpi eq, %select_n3A_128, %select_n3A : i32
        %select_n3A_130 = arith.constant 0 : i32
        %select_n3A_131 = arith.select %eq3A_129, %select_n3A_130, %select_n3A_128 : i32
        %add3A_132 = arith.addi %select_n3A_131, %select_n3A_16 : i32
        %add3A_133 = arith.constant 1 : i32
        %add3A_134 = arith.addi %select_n3A_131, %add3A_133 : i32
        %select_n3A_135 = arith.constant true
        %select_n3A_136 = arith.select %select_n3A_135, %add3A_134, %select_n3A_131 : i32
        %eq3A_137 = arith.cmpi eq, %select_n3A_136, %select_n3A : i32
        %select_n3A_138 = arith.constant 0 : i32
        %select_n3A_139 = arith.select %eq3A_137, %select_n3A_138, %select_n3A_136 : i32
        %add3A_140 = arith.addi %select_n3A_139, %select_n3A_16 : i32
        %convert_element_type3A_141 = arith.extui %eq3A_113 : i1 to i32
        %cond3A_142 = arith.constant 0 : i32
        %cond3A_143 = arith.cmpi ne, %convert_element_type3A_141, %cond3A_142 : i32
        scf.if %cond3A_143 {
        } else {
        }
        %convert_element_type3A_144 = arith.extui %eq3A_113 : i1 to i32
        %cond3A_145 = arith.constant 0 : i32
        %cond3A_146 = arith.cmpi ne, %convert_element_type3A_144, %cond3A_145 : i32
        scf.if %cond3A_146 {
          "tpu.trace_start"() <{level = 10 : i32, message = "ep_finalize"}> : () -> ()
          %rem3A_147 = arith.constant 2 : i32
          %rem3A_148 = arith.remui %while3A_95#3, %rem3A_147 : i32
          %mul3A_149 = arith.constant 384 : i32
          %mul3A_150 = arith.muli %mul3A_149, %add3A_114 : i32
          %eq3A_151 = arith.constant 260 : i32
          %eq3A_152 = arith.cmpi eq, %add3A_114, %eq3A_151 : i32
          %jit3A_153 = arith.constant 160 : i32
          %jit3A_154 = arith.constant 384 : i32
          %select_n3A_155 = arith.select %eq3A_152, %jit3A_153, %jit3A_154 : i32
          %multiple_of3A = tpu.assume_multiple %select_n3A_155, 8 : i32
          %mul3A_156 = arith.constant 384 : i32
          %mul3A_157 = arith.muli %add3A_114, %mul3A_156 : i32
          %dma_wait3A = arith.constant 0 : i32
          %dma_wait3A_158 = arith.constant 0 : i32
          %dma_wait3A_159 = tpu.memref_slice %run_scoped3A_20[%rem3A_148, %dma_wait3A, %dma_wait3A_158] <%multiple_of3A> : memref<2x384x128xf32, #tpu.memory_space<vmem>> -> memref<1x?x128xf32, #tpu.memory_space<vmem>>
          %dma_wait3A_160 = tpu.memref_squeeze %dma_wait3A_159 : memref<1x?x128xf32, #tpu.memory_space<vmem>> -> memref<?x128xf32, #tpu.memory_space<vmem>>
          %dma_wait3A_161 = arith.constant 0 : i32
          %dma_wait3A_162 = tpu.memref_slice %arg4[%mul3A_157, %dma_wait3A_161] <%multiple_of3A> : memref<100000x128xf32, #tpu.memory_space<hbm>> -> memref<?x128xf32, #tpu.memory_space<hbm>>
          %dma_wait3A_163 = tpu.memref_slice %run_scoped3A_21[%rem3A_148] : memref<2x!tpu.dma_semaphore, #tpu.memory_space<semaphore_mem>> -> memref<1x!tpu.dma_semaphore, #tpu.memory_space<semaphore_mem>>
          %dma_wait3A_164 = tpu.memref_squeeze %dma_wait3A_163 : memref<1x!tpu.dma_semaphore, #tpu.memory_space<semaphore_mem>> -> memref<!tpu.dma_semaphore, #tpu.memory_space<semaphore_mem>>
          %dma_wait3A_165 = arith.constant 0 : i32
          %dma_wait3A_166 = tpu.memref_slice %arg4[%mul3A_157, %dma_wait3A_165] <%multiple_of3A> : memref<100000x128xf32, #tpu.memory_space<hbm>> -> memref<?x128xf32, #tpu.memory_space<hbm>>
          %dma_wait3A_167 = arith.constant 0 : i32
          %dma_wait3A_168 = arith.constant 0 : i32
          %dma_wait3A_169 = tpu.memref_slice %run_scoped3A_20[%rem3A_148, %dma_wait3A_167, %dma_wait3A_168] <%multiple_of3A> : memref<2x384x128xf32, #tpu.memory_space<vmem>> -> memref<1x?x128xf32, #tpu.memory_space<vmem>>
          %dma_wait3A_170 = tpu.memref_squeeze %dma_wait3A_169 : memref<1x?x128xf32, #tpu.memory_space<vmem>> -> memref<?x128xf32, #tpu.memory_space<vmem>>
          tpu.wait_dma2 semaphore(%dma_wait3A_164 : memref<!tpu.dma_semaphore, #tpu.memory_space<semaphore_mem>>) src(%dma_wait3A_170 : memref<?x128xf32, #tpu.memory_space<vmem>>) dst(%dma_wait3A_166 : memref<?x128xf32, #tpu.memory_space<hbm>>)
          "tpu.trace_stop"() : () -> ()
        } else {
        }
      } else {
      }
      tpu.yield
    }) : () -> ()
    return
  }
}

</mosaic_0001>

<sc_bundles>
// kernel: kernel.3.cloned.1.call-start
scs
__scs_entry_jumppad:
0x0: {  	(pc) =	sbr.rel $0x88, $3  }
0x1: {  	(tag) =	ssettag $0x0;
	lr =	simm.s32 $0x1  }
0x2: {  	[smem:$0x3F9F] =	sst lr;
	_ =	strace $0xD0000000  }
0x3: {  	_ = 	snop  }
0x4: {  	_ = 	snop  }
0x5: {  	_ = 	snop  }
0x6: {  	_ = 	snop  }
0x7: {  	_ = 	snop  }
__scs_overlays_trampoline_lowered:
0x8: {  	[smem:$0x3FAE] =	sst s0  }
0x9: {  	[smem:$0x3FAF] =	sst s1  }
0xa: {  	[smem:$0x3FB0] =	sst s2  }
0xb: {  	[smem:$0x3FB1] =	sst s3  }
0xc: {  	[smem:$0x3FB2] =	sst s4  }
0xd: {  	[smem:$0x3FB3] =	sst s5  }
0xe: {  	[smem:$0x3FB4] =	sst s6  }
0xf: {  	[smem:$0x3FB5] =	sst s7  }
0x10: {  	[smem:$0x3FB6] =	sst s8  }
0x11: {  	[smem:$0x3FB7] =	sst s9;
	s0 =	simm.s32 @!p0 $0x0  }
0x12: {  	s1 =	sld [smem:$0x3F9D];
	s0 =	simm.s32 @p0 $0x1  }
0x13: {  	[smem:$0x3FB8] =	sst s0;
	s0 =	simm.s32 @!p1 $0x0  }
0x14: {  	s2 =	sld [smem:$0x3F9C];
	s0 =	simm.s32 @p1 $0x1  }
0x15: {  	[smem:$0x3FB9] =	sst s0;
	s0 =	simm.s32 @!p2 $0x0  }
0x16: {  	s3 =	sld [smem:$0x3FDB];
	s0 =	simm.s32 @p2 $0x1  }
0x17: {  	s4 =	simm.s32 $0x1BF5;
	[smem:$0x3FBB] =	sst s0  }
0x18: {  	s0 =	sld [smem:$0x3F9E];
	_ =	swait.ge [sflag:s4], $0x0  }
0x19: {  	s7 =	sld [smem:$0x3F9F]  }
0x1a: {  	s8 =	sadd.s32 $0xFFFFE003, lr  }
0x1b: {  	s9 =	sadd.s32 $0xFFFFFEF7, lr;
	s5 =	simm.s32 $0xFFFFFFFF;
	p2 =	slt.u32 s8, $0xFFFFF086  }
0x1c: {  	p1 =	slt.u32 s9, $0xF7A;
	s5 =	simm.s32 @!p2 $0x0  }
0x1d: {  	s5 =	simm.s32 @p1 $0x1;
	p0 =	seq.s32 s7, s2  }
0x1e: {  	s7 =	smul.u32 @!p0 $0xF7A, s2;
	p2 =	seq.s32 @!p0 s5, $0x0  }
0x1f: {  	s9 =	smul.u32 $0xF7A, s1;
	s8 =	simm.s32 @!p0 $0x1BF5;
	p2 =	por !p2, p0  }
0x20: {  	[sflag:s8] =	ssyncset.s32 @!p0 $0xFFFFF086;
	s6 =	sadd.s32 @!p0 s3, s7;
	s7 =	simm.s32 @!p0 $0x108  }
0x21: {  	s3 =	sadd.s32 s3, s9;
	s6 =	sadd.s32 @!p0 $0x88, s6;
	s7 =	simm.s32 @p2 $0x1082  }
0x22: {  	[simem:s7], [sflag:s8] =	dma.local @!p0 [hbm:s6], $0xF7A  }
0x23: {  	s9 =	sor.u32 $0xD0000000, s2;
	s6 =	simm.s32 $0x108;
	_ =	swait.ge @!p0 [sflag:s8], $0x0  }
0x24: {  	s3 =	sadd.s32 $0x88, s3;
	s6 =	simm.s32 @!p1 $0x1082;
	[sflag:s4] =	ssyncset.s32 $0xFFFFF086  }
0x25: {  	[simem:s6], [sflag:s4] =	dma.local [hbm:s3], $0xF7A  }
0x26: {  	[smem:$0x3F9F] =	sst s1;
	(tag) =	ssettag s2;
	_ =	strace s9  }
0x27: {  	s1 =	sld [smem:$0x3FAF]  }
0x28: {  	s2 =	sld [smem:$0x3FB0]  }
0x29: {  	s4 =	sld [smem:$0x3FB2]  }
0x2a: {  	p0 =	seq.s32 s5, $0x0;
	s5 =	sld [smem:$0x3FB3]  }
0x2b: {  	s6 =	sld [smem:$0x3FB4]  }
0x2c: {  	s7 =	sld [smem:$0x3FB5]  }
0x2d: {  	s3 =	simm.s32 $0x108;
	s8 =	sld [smem:$0x3FB6]  }
0x2e: {  	s3 =	simm.s32 @!p0 $0x1082;
	s9 =	sld [smem:$0x3FB7]  }
0x2f: {  	lr =	sadd.s32 s0, s3;
	s0 =	sld [smem:$0x3FAE]  }
0x30: {  	s3 =	sld [smem:$0x3FB1]  }
0x31: {  	[smem:$0x3FBA] =	sst s10  }
0x32: {  	s10 =	sld [smem:$0x3FB8];
	_ =	sdelay $0x3  }
0x33: {  	p0 =	seq.s32 s10, $0x1;
	s10 =	sld [smem:$0x3FBA];
	_ =	sdelay $0x3  }
0x34: {  	[smem:$0x3FBA] =	sst s10  }
0x35: {  	s10 =	sld [smem:$0x3FB9];
	_ =	sdelay $0x3  }
0x36: {  	p1 =	seq.s32 s10, $0x1;
	s10 =	sld [smem:$0x3FBA];
	_ =	sdelay $0x3  }
0x37: {  	[smem:$0x3FBA] =	sst s10  }
0x38: {  	s10 =	sld [smem:$0x3FBB]  }
0x39: {  	_ = 	snop;
	(pc) =	sbr.ind lr, $3  }
0x3a: {  	_ = 	snop  }
0x3b: {  	_ = 	snop  }
0x3c: {  	p2 =	seq.s32 s10, $0x1;
	s10 =	sld [smem:$0x3FBA]  }
0x3d: {  	_ =	shalt  }
0x3e: {  	_ =	shalt  }
0x3f: {  	_ =	shalt  }
0x40: {  	_ =	shalt  }
0x41: {  	_ =	shalt  }
0x42: {  	_ =	shalt  }
0x43: {  	_ =	shalt  }
0x44: {  	_ =	shalt  }
0x45: {  	_ =	shalt  }
0x46: {  	_ =	shalt  }
0x47: {  	_ =	shalt  }
0x48: {  	_ =	shalt  }
0x49: {  	_ =	shalt  }
0x4a: {  	_ =	shalt  }
0x4b: {  	_ =	shalt  }
0x4c: {  	_ =	shalt  }
0x4d: {  	_ =	shalt  }
0x4e: {  	_ =	shalt  }
0x4f: {  	_ =	shalt  }
0x50: {  	_ =	shalt  }
0x51: {  	_ =	shalt  }
0x52: {  	_ =	shalt  }
0x53: {  	_ =	shalt  }
0x54: {  	_ =	shalt  }
0x55: {  	_ =	shalt  }
0x56: {  	_ =	shalt  }
0x57: {  	_ =	shalt  }
0x58: {  	_ =	shalt  }
0x59: {  	_ =	shalt  }
0x5a: {  	_ =	shalt  }
0x5b: {  	_ =	shalt  }
0x5c: {  	_ =	shalt  }
0x5d: {  	_ =	shalt  }
0x5e: {  	_ =	shalt  }
0x5f: {  	_ =	shalt  }
0x60: {  	_ =	shalt  }
0x61: {  	_ =	shalt  }
0x62: {  	_ =	shalt  }
0x63: {  	_ =	shalt  }
0x64: {  	_ =	shalt  }
0x65: {  	_ =	shalt  }
0x66: {  	_ =	shalt  }
0x67: {  	_ =	shalt  }
0x68: {  	_ =	shalt  }
0x69: {  	_ =	shalt  }
0x6a: {  	_ =	shalt  }
0x6b: {  	_ =	shalt  }
0x6c: {  	_ =	shalt  }
0x6d: {  	_ =	shalt  }
0x6e: {  	_ =	shalt  }
0x6f: {  	_ =	shalt  }
0x70: {  	_ =	shalt  }
0x71: {  	_ =	shalt  }
0x72: {  	_ =	shalt  }
0x73: {  	_ =	shalt  }
0x74: {  	_ =	shalt  }
0x75: {  	_ =	shalt  }
0x76: {  	_ =	shalt  }
0x77: {  	_ =	shalt  }
0x78: {  	_ =	shalt  }
0x79: {  	_ =	shalt  }
0x7a: {  	_ =	shalt  }
0x7b: {  	_ =	shalt  }
0x7c: {  	_ =	shalt  }
0x7d: {  	_ =	shalt  }
0x7e: {  	_ =	shalt  }
0x7f: {  	_ =	shalt  }
0x80: {  	_ =	shalt  }
0x81: {  	_ =	shalt  }
0x82: {  	_ =	shalt  }
0x83: {  	_ =	shalt  }
0x84: {  	_ =	shalt  }
0x85: {  	_ =	shalt  }
0x86: {  	_ =	shalt  }
0x87: {  	_ =	shalt  }
.Lfunc_end0:
.L_simem_size_0:
called_computation_lowered:
.L_overlay_start_0:
0x88: {  	s2 =	sld [smem:$0x3FD9]  }
0x89: {  	s3 =	sld [smem:$0x3FFE];
	_ =	sdelay $0x1  }
0x8a: {  	s1 =	srdreg.scid  }
0x8b: {  	s0 =	sand.u32 $0x1, s1  }
0x8c: {  	s17 =	sshll.u32 s0, $0xA;
	s2 =	sadd.s32 s3, s2  }
0x8d: {  	s2 =	sadd.s32 s2, s17  }
0x8e: {  	[smem:$0x3FC6] =	sst s2  }
0x8f: {  	_ = 	snop  }
0x90: {  	s2 =	sld [smem:$0x3FC8]  }
0x91: {  	s18 =	sld [smem:$0x3FD0];
	(tm) =	ssettm $0x1  }
0x92: {  	s4 =	sld [smem:$0x3FFB];
	_ =	sdelay $0x3  }
0x93: {  	_ =	strace s4  }
0x94: {  	s4 =	sld [smem:$0x3FFC];
	_ =	sdelay $0x3  }
0x95: {  	_ =	strace s4  }
0x96: {  	s4 =	sld [smem:$0x3FFD];
	_ =	sdelay $0x3  }
0x97: {  	_ =	strace s4  }
0x98: {  	_ =	strace $0x8FFFFFFF  }
0x99: {  	s19 =	sld [smem:$0x3FDB];
	_ =	sdelay $0x1  }
0x9a: {  	s5 =	simm.s32 $_scs_section_size  }
0x9b: {  	s6 =	simm.s32 $_size__tile_overlayer_lowered;
	s7 =	simm.s32 $_tile_overlayer_lowered  }
0x9c: {  	s22 =	simm.s32 $0x1BFF;
	s21 =	sshll.u32 s7, $0x1;
	s4 =	sadd.s32 s5, s19  }
0x9d: {  	s8 =	simm.s32 $0x0;
	s20 =	sshll.u32 s6, $0x1;
	s6 =	sadd.s32 s21, s4  }
0x9e: {  	[timem:s8], [sflag:s22] =	dma.local [hbm:s6], s20  }
0x9f: {  	_ =	swait.ge [sflag:s22], s20  }
0xa0: {  	s5 =	ssub.s32 $0x0, s20;
	[sflag:s22] =	ssyncset.done $0x0  }
0xa1: {  	[sflag:s22] =	ssyncadd.s32 s5;
	_ =	sdelay $0x1  }
0xa2: {  	s23 =	simm.s32 $0x1B8B  }
0xa3: {  	_ =	swait.ge [sflag:s23], $0x1  }
0xa4: {  	[sflag:s23] =	ssyncset.done $0x0  }
0xa5: {  	s25 =	simm.s32 $0x1B8E;
	s24 =	sld [smem:$0x3FFE];
	[sflag:s23] =	ssyncadd.s32 $0xFFFFFFFF  }
0xa6: {  	s26 =	simm.s32 $execute0_lowered;
	[smem:$0x3FD2] =	sst s25  }
0xa7: {  	s6 =	sshll.u32 s26, $0x1;
	_ =	strace $0x80000046;
	[dreg:$0x1] =	wrdreg $0xFFFFFFFF  }
0xa8: {  	s28 =	simm.s32 $_size_execute0_lowered;
	s4 =	sadd.s32 s4, s6;
	[dreg:$0x0] =	wrdreg $0x0  }
0xa9: {  	s6 =	sshll.u32 s28, $0x1;
	[dreg:$0x2] =	wrdreg s4  }
0xaa: {  	[dreg:$0x3] =	wrdreg s6  }
0xab: {  	[dreg:$0x4] =	wrdreg $0xC0  }
0xac: {  	_ =	task [dreg:s8], $0x5FFFF  }
0xad: {  	[dreg:$0x1] =	wrdreg $0xFFFFFFFF  }
0xae: {  	[dreg:$0x0] =	wrdreg $0x60  }
0xaf: {  	[dreg:$0x2] =	wrdreg s2  }
0xb0: {  	[dreg:$0x3] =	wrdreg s24  }
0xb1: {  	[dreg:$0x4] =	wrdreg s18  }
0xb2: {  	[dreg:$0x5] =	wrdreg $0x0  }
0xb3: {  	[dreg:$0x6] =	wrdreg $0x9  }
0xb4: {  	_ =	task.clear_ibuf [dreg:s8], $0x7FFFF;
	_ =	strace $0x90000046  }
0xb5: {  	s29 =	simm.s32 $0x9;
	_ =	strace $0x8000004F  }
0xb6: {  	_ =	swait.ge [sflag:s29], $0x1  }
0xb7: {  	[sflag:s29] =	ssyncadd.s32 $0xFFFFFFFF  }
0xb8: {  	_ =	strace $0x9000004F  }
0xb9: {  	_ =	sfence  }
0xba: {  	s30 =	sld [smem:$0x0];
	_ =	sdelay $0x2  }
0xbb: {  	s31 =	sshll.u32 s1, $0xD;
	s1 =	sshrl.u32 s1, $0x2  }
0xbc: {  	s3 =	sand.u32 $0x4000, s31;
	s1 =	sadd.s32 s1, s30  }
0xbd: {  	s0 =	sor.u32 s3, s0;
	s1 =	sshll.u32 s1, $0x11  }
0xbe: {  	s0 =	sor.u32 s1, s0  }
0xbf: {  	s0 =	sadd.s32 $0x8F2B, s0  }
0xc0: {  	[sflag:s0] =	ssyncadd.remote.s32 $0x1  }
0xc1: {  	_ =	sfence.sel $0xFFFF  }
0xc2: {  	[dreg:$0x0] =	wrdreg $0xFFFFFFFF;
	(pc) =	sbr.abs _section_cstart, $3  }
0xc3: {  	[dreg:$0x1] =	wrdreg $0xFFFFFFFF  }
0xc4: {  	_ =	task.clear_ibuf [dreg:s8], $0x2FFFF;
	_ =	strace $0x9FFFFFFF  }
0xc5: {  	(tm) =	ssettm $0x7FFFFFFF  }
tec
execute0_lowered:
.L_overlay_start_1:
0x0: {  	(tag) =	ssettag $0x1  }
0x1: {  	s0 =	rddreg [dreg:$0x0]  }
0x2: {  	s1 =	srdreg.scid;
	s6 =	rddreg [dreg:$0x1]  }
0x3: {  	s2 =	rddreg [dreg:$0x2];
	s11 =	stileid.u32  }
0x4: {  	s3 =	rddreg [dreg:$0x3];
	s4 =	simm.s32 $0x0;
	s13 =	simm.s32 $0x400  }
0x5: {  	s14 =	simm.s32 $0x180;
	s15 =	simm.s32 $0x6;
	s7 =	sand.u32 $0x1, s1  }
0x6: {  	s16 =	simm.s32 $0x0;
	[smem:$0x7FF] =	sst s4;
	s1 =	sshll.u32 s7, $0x4  }
0x7: {  	s6 =	sadd.s32 $0x400, s6;
	s30 =	ssub.s32 $0x2, s7;
	s5 =	sor.u32 s11, s1  }
0x8: {  	s7 =	simm.s32 $0x9;
	s8 =	smul.u32 $0x9, s5;
	s9 =	sshll.u32 s5, $0x3  }
0x9: {  	s1 =	rddreg [dreg:$0x4];
	p0 =	slt.u32 s5, $0x5;
	s5 =	sor.u32 $0x5, s9  }
0xa: {  	_ =	strace $0x80000047;
	s10 =	sshrl.u32 s30, $0x1;
	s5 =	smov.u32 @p0 s8  }
0xb: {  	s12 =	ssub.s32 s30, s10;
	s7 =	simm.s32 @!p0 $0x8;
	s31 =	smul.u32 $0x30, s5  }
0xc: {  	s9 =	sadd.s32 $0xFFFFFFFF, s7;
	p0 =	sne.s32 s11, $0x0;
	s11 =	smax.u32 s12, $0x1  }
0xd: {  	s10 =	sadd.s32 $0xFFFFFFFF, s5;
	s12 =	sshrl.u32 @!p0 s3, $0x3;
	s8 =	sadd.s32 s6, s31  }
.LBB2_1:
0xe: {  	s17 =	simm.s32 @!p0 $0x1C01  }
0xf: {  	[spmem:s12], [sflag:s17] =	dma.local @!p0 [hbm:s0], $0x800  }
0x10: {  	s17 =	simm.s32 @!p0 $0x1  }
0x11: {  	_ =	swait.ge @!p0 [sflag:s17], $0x800  }
0x12: {  	[sflag:s17] =	ssyncset.done @!p0 $0x0  }
0x13: {  	[sflag:s17] =	ssyncadd.s32 @!p0 $0xFFFFF800  }
0x14: {  	s23 =	simm.s32 $0x0;
	s18 =	simm.s32 $0x0;
	[bflag:$0x0] =	sbarrier.arrive $0xFFFF  }
0x15: {  	s19 =	simm.s32 $0x0;
	s21 =	simm.s32 $0x1;
	_ =	strace $0x80000048  }
0x16: {  	[tilespmem:s13], [sflag:$0x2] =	stream.linear.gather [hbm4b:s8+s4], $0x180, $0x200038;
	[tilespmem:$0x18700] =	vst v63  }
0x17: {  	s22 =	simm.s32 $0x0;
	s17 =	simm.s32 $0x0;
	_ =	strace $0x90000048  }
.LBB2_2:
0x18: {  	s20 =	sadd.s32 $0x1, s23  }
0x19: {  	p1 =	seq.s32 s20, s7  }
0x1a: {  	s20 =	simm.s32 @p1 $0x0  }
0x1b: {  	p3 =	slt.u32 s22, s9;
	p2 =	sne.s32 s23, s20  }
0x1c: {  	p1 =	por !p3, !p2  }
0x1d: {  	p1 =	por !p1, !p1  }
0x1e: {  	s25 =	sand.u32 @p1 $0x1, s21  }
0x1f: {  	p3 =	seq.s32 s23, $0x0;
	s24 =	sadd.s32 @p1 s5, s20;
	s26 =	smul.u32 @p1 $0x600, s25  }
0x20: {  	_ =	strace @p1 $0x80000049;
	s28 =	smul.u32 @p1 $0x180, s24;
	s24 =	sadd.s32 $0xFFFFFFFF, s23  }
0x21: {  	s29 =	simm.s32 @p1 $0x0;
	s25 =	sor.u32 @p1 $0x2, s25;
	s24 =	smov.u32 @p3 s9  }
0x22: {  	p3 =	seq.s32 s22, $0x0;
	s26 =	sshrl.u32 @p1 s26, $0x2;
	s28 =	sshrl.u32 @p1 s28, $0x3  }
0x23: {  	p4 =	seq.s32 @!p3 s23, s24;
	s26 =	sor.u32 @p1 $0x400, s26;
	s28 =	sadd.s32 @p1 s6, s28  }
0x24: {  	[tilespmem:s26], [sflag:s25] =	stream.linear.gather @p1 [hbm4b:s28+s29], $0x180, $0x200038;
	[tilespmem:$0x18700] =	vst v63  }
0x25: {  	p3 =	por p3, !p4;
	s25 =	sand.u32 $0x1, s19;
	_ =	strace @p1 $0x90000049  }
0x26: {  	s26 =	sor.u32 @p3 $0x2, s25;
	_ =	strace @p3 $0x8000004A  }
0x27: {  	p6 =	sne.s32 s22, $0x0;
	p5 =	sne.s32 s23, s24;
	_ =	swait.ge @p3 [sflag:s26], $0x180  }
0x28: {  	p4 =	seq.s32 s9, s22;
	s22 =	sadd.s32 $0x1, s22;
	[sflag:s26] =	ssyncset.done @p3 $0x0  }
0x29: {  	s29 =	simm.s32 $0x1;
	[sflag:s26] =	ssyncadd.s32 @p3 $0xFFFFFE80;
	s26 =	sand.u32 $0x1, s18  }
0x2a: {  	s29 =	simm.s32 @!p1 $0x0;
	p1 =	por !p6, !p5;
	s31 =	smul.u32 $0x30000, s26  }
0x2b: {  	p2 =	por p4, p2;
	p1 =	por !p1, !p1;
	_ =	strace @p3 $0x9000004A  }
0x2c: {  	p3 =	seq.s32 s25, $0x1;
	s25 =	simm.s32 $0x580;
	s28 =	sshrl.u32 s31, $0x2  }
0x2d: {  	_ =	strace $0x8000004B;
	s25 =	simm.s32 @!p3 $0x400;
	s28 =	sor.u32 $0x700, s28  }
0x2e: {  	[tilespmem:s28], [sflag:$0x6] =	stream.indirect.gather [spmem:s3], $0x80, s25, s14, $0x2000b8;
	[tilespmem:$0x18700] =	vst v63  }
0x2f: {  	s31 =	simm.s32 @p2 $0x0;
	s25 =	sadd.s32 s5, s23;
	s23 =	sadd.s32 s5, s24  }
0x30: {  	s24 =	simm.s32 $0x1;
	_ =	swait.ge [sflag:s15], $0xC000;
	s30 =	smul.u32 @p2 $0xC000, s25  }
0x31: {  	p3 =	seq.s32 @p2 s25, $0x104;
	s25 =	sor.u32 @p2 $0x4, s26;
	[sflag:s15] =	ssyncset.done $0x0  }
0x32: {  	s24 =	simm.s32 @!p2 $0x0;
	p3 =	por !p3, !p2;
	[sflag:s15] =	ssyncadd.s32 $0xFFFF4000  }
0x33: {  	s26 =	sshrl.u32 @p2 s30, $0x3;
	s30 =	simm.s32 @p2 $0x5000;
	_ =	strace $0x9000004B  }
0x34: {  	s26 =	sadd.s32 @p2 s2, s26;
	s30 =	simm.s32 @p3 $0xC000;
	_ =	strace @p2 $0x8000004C  }
0x35: {  	[hbm4b:s26+s31] =	stream.linear.scatter @p2 [tilespmem:s28], [sflag:s25], s30, $0x200038;
	[tilespmem:$0x18700] =	vst v63  }
0x36: {  	s25 =	simm.s32 @p1 $0x5000;
	_ =	strace @p2 $0x9000004C;
	p2 =	seq.s32 @p1 s23, $0x104  }
0x37: {  	s26 =	simm.s32 @p1 $0xFFFFB000;
	s23 =	sand.u32 @p1 $0x1, s17;
	p2 =	por !p2, !p1  }
0x38: {  	s25 =	simm.s32 @p2 $0xC000;
	s26 =	simm.s32 @p2 $0xFFFF4000;
	p2 =	sne.s32 s7, s22  }
.Ltmp0:
0x39: {  	_ =	strace @p1 $0x8000004D;
	s23 =	sor.u32 @p1 $0x4, s23;
	(pc) =	sbr.rel @p2 .LBB2_2-.Ltmp0, $4  }
0x3a: {  	s21 =	sadd.s32 s29, s21;
	_ =	swait.ge @p1 [sflag:s23], s25  }
0x3b: {  	s18 =	sadd.s32 s24, s18;
	s25 =	simm.s32 $0x1;
	[sflag:s23] =	ssyncset.done @p1 $0x0  }
0x3c: {  	s19 =	sadd.s32 s24, s19;
	s25 =	simm.s32 @!p1 $0x0;
	[sflag:s23] =	ssyncadd.s32 @p1 s26  }
0x3d: {  	s17 =	sadd.s32 s25, s17;
	s23 =	smov.u32 s20;
	_ =	strace @p1 $0x9000004D  }
0x3e: {  	p1 =	seq.s32 s20, $0x0  }
0x3f: {  	s20 =	smov.u32 @p1 s7  }
0x40: {  	s17 =	sand.u32 $0x1, s17;
	s19 =	simm.s32 $0xFFFFB000;
	s18 =	sadd.s32 s20, s10  }
0x41: {  	s16 =	sadd.s32 $0x1, s16;
	p1 =	seq.s32 s18, $0x104;
	s18 =	simm.s32 $0x5000  }
0x42: {  	s18 =	simm.s32 @!p1 $0xC000;
	s19 =	simm.s32 @!p1 $0xFFFF4000;
	p1 =	sne.s32 s16, s11  }
.Ltmp1:
0x43: {  	_ =	strace $0x8000004E;
	s17 =	sor.u32 $0x4, s17;
	(pc) =	sbr.rel @p1 .LBB2_1-.Ltmp1, $4  }
0x44: {  	_ =	swait.ge [sflag:s17], s18  }
0x45: {  	[sflag:s17] =	ssyncset.done $0x0  }
0x46: {  	[sflag:s17] =	ssyncadd.s32 s19  }
0x47: {  	_ =	strace $0x9000004E  }
0x48: {  	_ =	sfence.sel $0x180000  }
0x49: {  	[bflag:$0x0] =	sbarrier.arrive $0xFFFF  }
0x4a: {  	_ =	strace $0x90000047  }
0x4b: {  	s0 =	sadd.s32 @!p0 $0x100000, s1;
	[bflag:$0x2] =	sbarrier.arrive $0xFFFF  }
0x4c: {  	[sflag:s0] =	ssyncadd.tile.s32 @!p0 $0x1;
	_ =	shalt  }
.Lfunc_end2:
_tile_overlayer_lowered:
.L_overlay_start_2:
0x4d: {  	(tag) =	ssettag $0x2  }
0x4e: {  	s0 =	rddreg [dreg:$0x0];
	s2 =	stileid.u32  }
0x4f: {  	s1 =	rddreg [dreg:$0x1];
	p0 =	sne.s32 s2, $0x0  }
0x50: {  	s3 =	rddreg [dreg:$0x2];
	[bflag:$0x3] =	sbarrier.arrive $0xFFFF;
	s2 =	simm.s32 @!p0 $0x1C02  }
0x51: {  	[timem:s3], [sflag:s2] =	dma.local @!p0 [hbm:s0], s1  }
0x52: {  	s0 =	simm.s32 @!p0 $0x2  }
0x53: {  	_ =	swait.ge @!p0 [sflag:s0], s1  }
0x54: {  	s1 =	ssub.s32 @!p0 $0x0, s1;
	[sflag:s0] =	ssyncset.done @!p0 $0x0  }
0x55: {  	[sflag:s0] =	ssyncadd.s32 @!p0 s1  }
0x56: {  	[bflag:$0x3] =	sbarrier.arrive $0xFFFF  }
0x57: {  	_ =	shalt  }

</sc_bundles>
